<compile_context>
chip_gen: v7x
topology: tpu7x:2x2x1
jax: 0.10.2.dev20260603
libtpu: 0.0.44.dev20260713+nightly
codegen_flags: <defaults>
</compile_context>

<pallas_src>
import functools

import jax
import jax.numpy as jnp
from jax import lax
from jax.experimental import pallas as pl
from jax.experimental.pallas import tpu as pltpu
from jax.experimental.pallas import tpu_sc as plsc

_CUTOFF = 10.0
_HID = 128
_NG = 50
_NGP = 64
_R = 64
_RH = 32
_W = 64
_NP = 10240
_NB = _NP // _R
_NCW = _NP // _W
_P = _R * _W


def _ssp(x):
    return jnp.maximum(x, 0.0) + jnp.log1p(jnp.exp(-jnp.abs(x))) - jnp.log(2.0)


def _sc_embed(emb, zp):
    info = plsc.get_sparse_core_info()
    nc, ns = info.num_cores, info.num_subcores
    nw = nc * ns
    b_per_w = _NP // nw
    d = emb.shape[1]
    mesh = plsc.VectorSubcoreMesh(core_axis_name="c", subcore_axis_name="s")

    @functools.partial(
        pl.kernel,
        mesh=mesh,
        out_type=jax.ShapeDtypeStruct((_NP, d), jnp.float32),
        scratch_types=[
            pltpu.VMEM((b_per_w,), jnp.int32),
            pltpu.VMEM((b_per_w, d), jnp.float32),
            pltpu.SemaphoreType.DMA,
        ],
    )
    def gather_kernel(table_hbm, idx_hbm, out_hbm, idx_v, rows_v, sem):
        wid = lax.axis_index("s") * nc + lax.axis_index("c")
        base = wid * b_per_w
        pltpu.sync_copy(idx_hbm.at[pl.ds(base, b_per_w)], idx_v)
        pltpu.async_copy(table_hbm.at[idx_v], rows_v, sem).wait()
        pltpu.sync_copy(rows_v, out_hbm.at[pl.ds(base, b_per_w)])

    return gather_kernel(emb, zp)


def _banded_body(qka_ref, c0a_ref, qkb_ref, c0b_ref, tcnt_ref, nodef_ref,
                 nodet_ref, xj_ref, iw1_ref, ib1_ref, iw2_ref, ib2_ref,
                 selc_ref, out_ref):
    b = pl.program_id(0)
    qka = qka_ref[b]
    c0a = c0a_ref[b]
    qkb = qkb_ref[b]
    c0b = c0b_ref[b]
    tcnt = tcnt_ref[b]
    r0 = b * _R
    lima = (_NP - _W - c0a) // _W
    limb = (_NP - _W - c0b) // _W

    f32 = jnp.float32
    step = _CUTOFF / (_NG - 1)
    coeff = -0.5 / (step * step)
    gi = lax.broadcasted_iota(jnp.int32, (1, _NGP), 1).astype(f32)
    off = jnp.where(gi < _NG, gi * step, 1e6)

    rowdat = nodef_ref[pl.ds(r0, _R), :]
    br = rowdat[:, 0:1]
    nr = rowdat[:, 1:2]
    prx = rowdat[:, 2:3]
    pry = rowdat[:, 3:4]
    prz = rowdat[:, 4:5]
    ridx = r0 + lax.broadcasted_iota(jnp.int32, (_R, 1), 0)

    iw1v = iw1_ref[...]
    ib1v = ib1_ref[...]
    iw2v = iw2_ref[...]
    ib2v = ib2_ref[...]

    sel_c = selc_ref[...]

    def _flatten2(a2, b2):
        ab = jnp.concatenate([a2, b2], axis=1)
        ex = jnp.repeat(ab, _W, axis=0)
        af = jnp.sum(ex[:, :_W] * sel_c, axis=1, keepdims=True)
        bf = jnp.sum(ex[:, _W:] * sel_c, axis=1, keepdims=True)
        return af, bf

    def _asm(a2, b2):
        return jnp.concatenate([jnp.broadcast_to(a2, (_RH, _W)),
                                jnp.broadcast_to(b2, (_RH, _W))], axis=0)

    def tile_body(t, acc):
        ta = jnp.minimum(t, lima)
        tb = jnp.minimum(t, limb)
        c0at = c0a + ta * _W
        c0bt = c0b + tb * _W
        cola = nodet_ref[pl.ds(qka + 8 * ta, 8), :]
        colb = nodet_ref[pl.ds(qkb + 8 * tb, 8), :]
        xja = xj_ref[pl.ds(c0at, _W), :]
        xjb = xj_ref[pl.ds(c0bt, _W), :]
        wi = lax.broadcasted_iota(jnp.int32, (1, _W), 1)

        bc = _asm(cola[0:1, :], colb[0:1, :])
        nc = _asm(cola[1:2, :], colb[1:2, :])
        pcx = _asm(cola[2:3, :], colb[2:3, :])
        pcy = _asm(cola[3:4, :], colb[3:4, :])
        pcz = _asm(cola[4:5, :], colb[4:5, :])
        cidx = _asm(c0at + wi, c0bt + wi)

        dot3 = prx * pcx + pry * pcy + prz * pcz
        d2 = (nr + nc) - 2.0 * dot3
        m = (d2 < _CUTOFF * _CUTOFF) & (br == bc) & (ridx != cidx)
        dx = prx - pcx
        dy = pry - pcy
        dz = prz - pcz
        ew = jnp.sqrt(dx * dx + dy * dy + dz * dz)
        cw = 0.5 * (jnp.cos(ew * (jnp.pi / _CUTOFF)) + 1.0)
        cm2 = jnp.where(m, cw, 0.0)

        ew_f, cm_f = _flatten2(ew, cm2)
        ea = jnp.exp(coeff * (ew_f - off) ** 2)
        t1 = _ssp(jnp.dot(ea, iw1v, preferred_element_type=f32) + ib1v)
        w = jnp.dot(t1, iw2v, preferred_element_type=f32) + ib2v
        v = w * cm_f
        va = v[: _RH * _W].reshape(_RH, _W, _HID)
        vb = v[_RH * _W:].reshape(_RH, _W, _HID)
        ca = jnp.sum(va * xja[None, :, :], axis=1)
        cb = jnp.sum(vb * xjb[None, :, :], axis=1)
        return acc + jnp.concatenate([ca, cb], axis=0)

    acc = lax.fori_loop(0, tcnt, tile_body, jnp.zeros((_R, _HID), f32))
    out_ref[...] = acc


def _banded(qka, c0a, qkb, c0b, tcnt, nodef, nodet, xj, iw1p, ib1, iw2, ib2):
    grid_spec = pltpu.PrefetchScalarGridSpec(
        num_scalar_prefetch=5,
        grid=(_NB,),
        in_specs=[
            pl.BlockSpec((_NP, 8), lambda b, *_: (0, 0)),
            pl.BlockSpec((8 * _NCW * 8, _W), lambda b, *_: (0, 0)),
            pl.BlockSpec((_NP, _HID), lambda b, *_: (0, 0)),
            pl.BlockSpec((_NGP, _HID), lambda b, *_: (0, 0)),
            pl.BlockSpec((1, _HID), lambda b, *_: (0, 0)),
            pl.BlockSpec((_HID, _HID), lambda b, *_: (0, 0)),
            pl.BlockSpec((1, _HID), lambda b, *_: (0, 0)),
            pl.BlockSpec((_P, _W), lambda b, *_: (0, 0)),
        ],
        out_specs=pl.BlockSpec((_R, _HID), lambda b, *_: (b, 0)),
    )
    selc = (jnp.arange(_P, dtype=jnp.int32)[:, None] % _W
            == jnp.arange(_W, dtype=jnp.int32)[None, :]).astype(jnp.float32)
    return pl.pallas_call(
        _banded_body,
        grid_spec=grid_spec,
        out_shape=jax.ShapeDtypeStruct((_NP, _HID), jnp.float32),
    )(qka, c0a, qkb, c0b, tcnt, nodef, nodet, xj, iw1p,
      ib1.reshape(1, _HID), iw2, ib2.reshape(1, _HID), selc)


def _mm_body(x_ref, w_ref, o_ref):
    o_ref[...] = jnp.dot(x_ref[...], w_ref[...],
                         preferred_element_type=jnp.float32)


def _mm(x, w):
    m, k = x.shape
    n = w.shape[1]
    blk = min(1024, m)
    return pl.pallas_call(
        _mm_body,
        grid=(m // blk,),
        in_specs=[pl.BlockSpec((blk, k), lambda i: (i, 0)),
                  pl.BlockSpec((k, n), lambda i: (0, 0))],
        out_specs=pl.BlockSpec((blk, n), lambda i: (i, 0)),
        out_shape=jax.ShapeDtypeStruct((m, n), jnp.float32),
    )(x, w)


def _update_body(h_ref, agg_ref, cw2_ref, cb2_ref, lw_ref, lb_ref, cw1n_ref,
                 h_out, xj_out):
    t = _ssp(jnp.dot(agg_ref[...], cw2_ref[...],
                     preferred_element_type=jnp.float32) + cb2_ref[...])
    hn = h_ref[...] + jnp.dot(
        t, lw_ref[...], preferred_element_type=jnp.float32) + lb_ref[...]
    h_out[...] = hn
    xj_out[...] = jnp.dot(hn, cw1n_ref[...],
                          preferred_element_type=jnp.float32)


def _update(h, agg, cw2, cb2, lw, lb, cw1n):
    blk = min(1024, _NP)
    return pl.pallas_call(
        _update_body,
        grid=(_NP // blk,),
        in_specs=[pl.BlockSpec((blk, _HID), lambda i: (i, 0)),
                  pl.BlockSpec((blk, _HID), lambda i: (i, 0)),
                  pl.BlockSpec((_HID, _HID), lambda i: (0, 0)),
                  pl.BlockSpec((1, _HID), lambda i: (0, 0)),
                  pl.BlockSpec((_HID, _HID), lambda i: (0, 0)),
                  pl.BlockSpec((1, _HID), lambda i: (0, 0)),
                  pl.BlockSpec((_HID, _HID), lambda i: (0, 0))],
        out_specs=[pl.BlockSpec((blk, _HID), lambda i: (i, 0)),
                   pl.BlockSpec((blk, _HID), lambda i: (i, 0))],
        out_shape=[jax.ShapeDtypeStruct((_NP, _HID), jnp.float32),
                   jax.ShapeDtypeStruct((_NP, _HID), jnp.float32)],
    )(h, agg, cw2, cb2.reshape(1, _HID), lw, lb.reshape(1, _HID), cw1n)


def _lin1_body(h_ref, w_ref, b_ref, o_ref):
    o_ref[...] = jnp.dot(h_ref[...], w_ref[...],
                         preferred_element_type=jnp.float32) + b_ref[...]


def _lin1(h, w, b):
    blk = min(1024, _NP)
    n = w.shape[1]
    return pl.pallas_call(
        _lin1_body,
        grid=(_NP // blk,),
        in_specs=[pl.BlockSpec((blk, _HID), lambda i: (i, 0)),
                  pl.BlockSpec((_HID, n), lambda i: (0, 0)),
                  pl.BlockSpec((1, n), lambda i: (0, 0))],
        out_specs=pl.BlockSpec((blk, n), lambda i: (i, 0)),
        out_shape=jax.ShapeDtypeStruct((_NP, n), jnp.float32),
    )(h, w, b.reshape(1, n))


def _readout_body(p_ref, m1w_ref, m1b_ref, m2w_ref, m2b_ref, o_ref):
    t = jax.nn.relu(jnp.dot(p_ref[...], m1w_ref[...],
                            preferred_element_type=jnp.float32) + m1b_ref[...])
    o_ref[...] = jnp.dot(t, m2w_ref[...],
                         preferred_element_type=jnp.float32) + m2b_ref[...]


def _readout(pairp, m1w, m1b, m2w, m2b):
    mp = pairp.shape[0]
    blk = 512
    return pl.pallas_call(
        _readout_body,
        grid=(mp // blk,),
        in_specs=[pl.BlockSpec((blk, _HID), lambda i: (i, 0)),
                  pl.BlockSpec((_HID, _HID), lambda i: (0, 0)),
                  pl.BlockSpec((1, _HID), lambda i: (0, 0)),
                  pl.BlockSpec((_HID, 1), lambda i: (0, 0)),
                  pl.BlockSpec((1, 1), lambda i: (0, 0))],
        out_specs=pl.BlockSpec((blk, 1), lambda i: (i, 0)),
        out_shape=jax.ShapeDtypeStruct((mp, 1), jnp.float32),
    )(pairp, m1w, m1b.reshape(1, _HID), m2w, m2b.reshape(1, 1))


def kernel(z, batch, pos, edges, emb, iw1, ib1, iw2, ib2, cw1, cw2, cb2,
           lw, lb, lin1_w, lin1_b, m1w, m1b, m2w, m2b):
    n = pos.shape[0]
    flat = edges[0].reshape(-1)
    pos_s = jnp.take(pos, flat, axis=0).astype(jnp.float32)
    nrm = (pos_s * pos_s).sum(1)
    batch_i = batch.astype(jnp.int32)

    padn = _NP - n
    batch_f = jnp.pad(batch_i, (0, padn),
                      constant_values=2 ** 24 - 1).astype(jnp.float32)
    nrm_p = jnp.pad(nrm, (0, padn))
    pos_p = jnp.pad(pos_s, ((0, padn), (0, 0)))
    gidx = jnp.arange(_NP, dtype=jnp.float32)
    zeros = jnp.zeros((_NP,), jnp.float32)
    nodef = jnp.stack([batch_f, nrm_p, pos_p[:, 0], pos_p[:, 1],
                       pos_p[:, 2], gidx, zeros, zeros], axis=1)
    sent = jnp.full((_W, 8), 0.0, jnp.float32).at[:, 0].set(2.0 ** 24 - 1)
    nodefx = jnp.concatenate([nodef, sent], axis=0)
    views = [nodefx[8 * k: 8 * k + _NP, :] for k in range(8)]
    nodet = jnp.concatenate(
        [v.T.reshape(8, _NCW, _W).transpose(1, 0, 2).reshape(_NCW * 8, _W)
         for v in views], axis=0)

    row0h = jnp.arange(2 * _NB, dtype=jnp.int32) * _RH
    rlasth = jnp.minimum(row0h + _RH - 1, n - 1)
    bfh = batch_i[jnp.minimum(row0h, n - 1)]
    csh = jnp.searchsorted(batch_i, bfh, side="left").astype(jnp.int32)
    ceh = jnp.searchsorted(batch_i, batch_i[rlasth],
                           side="right").astype(jnp.int32)
    c0h = (csh // 8) * 8
    tch = jnp.where(row0h < n,
                    (ceh - c0h + _W - 1) // _W, 0).astype(jnp.int32)
    qh = c0h // _W
    kh = (c0h % _W) // 8
    qkh = (kh * _NCW + qh) * 8
    qka, qkb = qkh[0::2], qkh[1::2]
    c0a, c0b = c0h[0::2], c0h[1::2]
    tcnt = jnp.maximum(tch[0::2], tch[1::2])

    iw1p = jnp.pad(iw1, ((0, 0), (0, _NGP - _NG), (0, 0)))

    zp = jnp.pad(z.astype(jnp.int32), (0, padn))
    h = _sc_embed(emb.astype(jnp.float32), zp)

    xj = _mm(h, cw1[0])
    for i in range(6):
        agg = _banded(qka, c0a, qkb, c0b, tcnt, nodef, nodet, xj, iw1p[i],
                      ib1[i], iw2[i], ib2[i])
        h, xj = _update(h, agg, cw2[i], cb2[i], lw[i], lb[i],
                        cw1[(i + 1) % 6])

    ne = _lin1(h, lin1_w, lin1_b)
    pair = ne[:n].reshape(n // 2, 2 * ne.shape[1])
    mp = 5120
    pairp = jnp.pad(pair, ((0, mp - n // 2), (0, 0)))
    outp = _readout(pairp, m1w, m1b, m2w, m2b)
    return outp[: n // 2, 0]

# --- scband reference (transcript-rebuilt; emitter-appended) ---
"""Pipeline reference for scband-mixed-sch-net-5695126634716 (READ-ONLY COPY).

The authoritative reference and input builder live on the scoring server;
editing this copy changes nothing except your own understanding.
"""

import jax, jax.numpy as jnp
import numpy as np

CUTOFF = 10.0
N_NODES = 10000
N_GRAPHS = 1250
HIDDEN = 128
N_GAUSS = 50
N_INTER = 6

def _ssp(x):
    return jax.nn.softplus(x) - jnp.log(2.0)

def _radius_graph(p, b):
    n = p.shape[0]
    nrm = (p * p).sum(1)
    src_l, dst_l = [], []
    step = 2000
    for s in range(0, n, step):
        e = min(s + step, n)
        d2 = nrm[s:e, None] + nrm[None, :] - 2.0 * (p[s:e] @ p.T)
        m = (d2 < CUTOFF * CUTOFF) & (b[s:e, None] == b[None, :])
        m[np.arange(e - s), np.arange(s, e)] = False
        r, c = np.nonzero(m)
        dst_l.append(r + s)
        src_l.append(c)
    return np.concatenate(src_l), np.concatenate(dst_l)

def setup_inputs(seed: int = 0):
    key = jax.random.key(seed)
    ks = jax.random.split(key, 24)
    z = jax.random.randint(ks[0], (N_NODES,), 0, 100)
    batch = jnp.sort(jax.random.randint(ks[1], (N_NODES,), 0, N_GRAPHS))
    pos = jax.random.normal(ks[2], (N_NODES, 3), jnp.float32)
    edges = jnp.arange(N_NODES).reshape(1, N_NODES // 2, 2)
    s = 0.1
    emb = s * jax.random.normal(ks[3], (100, HIDDEN), jnp.float32)
    iw1 = s * jax.random.normal(ks[4], (N_INTER, N_GAUSS, HIDDEN), jnp.float32)
    ib1 = s * jax.random.normal(ks[5], (N_INTER, HIDDEN), jnp.float32)
    iw2 = s * jax.random.normal(ks[6], (N_INTER, HIDDEN, HIDDEN), jnp.float32)
    ib2 = s * jax.random.normal(ks[7], (N_INTER, HIDDEN), jnp.float32)
    cw1 = s * jax.random.normal(ks[8], (N_INTER, HIDDEN, HIDDEN), jnp.float32)
    cw2 = s * jax.random.normal(ks[9], (N_INTER, HIDDEN, HIDDEN), jnp.float32)
    cb2 = s * jax.random.normal(ks[10], (N_INTER, HIDDEN), jnp.float32)
    lw = s * jax.random.normal(ks[11], (N_INTER, HIDDEN, HIDDEN), jnp.float32)
    lb = s * jax.random.normal(ks[12], (N_INTER, HIDDEN), jnp.float32)
    lin1_w = s * jax.random.normal(ks[13], (HIDDEN, HIDDEN // 2), jnp.float32)
    lin1_b = s * jax.random.normal(ks[14], (HIDDEN // 2,), jnp.float32)
    m1w = s * jax.random.normal(ks[15], (HIDDEN, HIDDEN), jnp.float32)
    m1b = s * jax.random.normal(ks[16], (HIDDEN,), jnp.float32)
    m2w = s * jax.random.normal(ks[17], (HIDDEN, 1), jnp.float32)
    m2b = s * jax.random.normal(ks[18], (1,), jnp.float32)
    return {"z": z, "batch": batch, "pos": pos, "edges": edges, "emb": emb, "iw1": iw1, "ib1": ib1, "iw2": iw2, "ib2": ib2, "cw1": cw1, "cw2": cw2, "cb2": cb2, "lw": lw, "lb": lb, "lin1_w": lin1_w, "lin1_b": lin1_b, "m1w": m1w, "m1b": m1b, "m2w": m2w, "m2b": m2b}

def reference(z, batch, pos, edges, emb, iw1, ib1, iw2, ib2, cw1, cw2, cb2, lw, lb, lin1_w, lin1_b, m1w, m1b, m2w, m2b):
    # process_input: ordered-unique reordering of pos by edges[0]
    flat = edges[0].reshape(-1)
    ordered = flat
    pos_s = pos[ordered]
    n = pos_s.shape[0]
    nrm = (pos_s * pos_s).sum(1)
    # GaussianSmearing(0, cutoff, 50)
    offset = jnp.linspace(0.0, CUTOFF, N_GAUSS)
    coeff = -0.5 / (offset[1] - offset[0]) ** 2
    h = emb[z]
    blk = 50
    starts = jnp.arange(0, n, blk)
    col_idx = jnp.arange(n)
    row_off = jnp.arange(blk)
    for i in range(N_INTER):
        # InteractionBlock / CFConv
        xj = h @ cw1[i]

        def body(carry, s):
            pb = jax.lax.dynamic_slice(pos_s, (s, 0), (blk, 3))
            nb = jax.lax.dynamic_slice(nrm, (s,), (blk,))
            bb = jax.lax.dynamic_slice(batch, (s,), (blk,))
            dot = (pb[:, 0:1] * pos_s[:, 0][None, :]
                   + pb[:, 1:2] * pos_s[:, 1][None, :]
                   + pb[:, 2:3] * pos_s[:, 2][None, :])
            d2 = nb[:, None] + nrm[None, :] - 2.0 * dot
            m = (d2 < CUTOFF * CUTOFF) & (bb[:, None] == batch[None, :])
            m = m & (col_idx[None, :] != (s + row_off)[:, None])
            ew = jnp.sqrt(jnp.sum((pb[:, None, :] - pos_s[None, :, :]) ** 2, axis=2))
            ea = jnp.exp(coeff * (ew[:, :, None] - offset[None, None, :]) ** 2)
            C = 0.5 * (jnp.cos(ew * jnp.pi / CUTOFF) + 1.0)
            W = _ssp(ea.reshape(-1, N_GAUSS) @ iw1[i] + ib1[i]) @ iw2[i] + ib2[i]
            W = W.reshape(blk, n, HIDDEN) * C[:, :, None]
            contrib = jnp.where(m[:, :, None], xj[None, :, :] * W, 0.0)
            return carry, contrib.sum(axis=1)

        _, blks = jax.lax.scan(body, None, starts)
        agg = blks.reshape(n, HIDDEN).astype(h.dtype)
        x2 = _ssp(agg @ cw2[i] + cb2[i])
        x2 = x2 @ lw[i] + lb[i]
        h = h + x2
    node_emb = h @ lin1_w + lin1_b
    pair = node_emb.reshape(-1, 2 * node_emb.shape[1])
    out = jax.nn.relu(pair @ m1w + m1b) @ m2w + m2b
    return out.reshape(-1)

if __name__ == "__main__":
    import jax
    _d = setup_inputs()
    print(jax.jit(kernel)(*tuple(_d.values())))

</pallas_src>

<mosaic_0001>
#map = affine_map<(d0, d1) -> (0, 0)>
#map1 = affine_map<(d0, d1) -> (0)>
module attributes {stable_mosaic.version = 14 : i64} {
  func.func @gather_kernel(%arg0: i32, %arg1: i32, %arg2: memref<100x128xf32, #tpu.memory_space<hbm>>, %arg3: memref<10240xi32, #tpu.memory_space<hbm>>, %arg4: memref<10240x128xf32, #tpu.memory_space<hbm>>, %arg5: memref<320xi32, #tpu.memory_space<vmem>>, %arg6: memref<320x128xf32, #tpu.memory_space<vmem>>, %arg7: memref<!tpu.dma_semaphore, #tpu.memory_space<semaphore_mem>>) attributes {dimension_semantics = [#tpu.dimension_semantics<core_parallel>, #tpu.dimension_semantics<subcore_parallel>], iteration_bounds = array<i64: 2, 16>, scalar_prefetch = 0 : i64, scratch_operands = 3 : i64, tpu.core_type = #tpu.core_type<sc_vector_subcore>, window_params = [{transform_indices = #map}, {transform_indices = #map1}, {transform_indices = #map}]} {
    %mul3A = arith.constant 2 : i32
    %mul3A_0 = arith.muli %arg1, %mul3A : i32
    %add3A = arith.addi %mul3A_0, %arg0 : i32
    %mul3A_1 = arith.constant 320 : i32
    %mul3A_2 = arith.muli %add3A, %mul3A_1 : i32
    "tpu.region"() ({
      %run_scoped3A = tpu.sem_alloc : memref<!tpu.dma_semaphore, #tpu.memory_space<semaphore_mem>>
      %dma_start3A_7 = tpu.memref_slice %arg3[%mul3A_2] : memref<10240xi32, #tpu.memory_space<hbm>> -> memref<320xi32, #tpu.memory_space<hbm>>
      %dma_start3A_8 = tpu.memref_slice %arg3[%mul3A_2] : memref<10240xi32, #tpu.memory_space<hbm>> -> memref<320xi32, #tpu.memory_space<hbm>>
      tpu.enqueue_dma source(%dma_start3A_8 : memref<320xi32, #tpu.memory_space<hbm>>) target(%arg5 : memref<320xi32, #tpu.memory_space<vmem>>) target_semaphore(%run_scoped3A : memref<!tpu.dma_semaphore, #tpu.memory_space<semaphore_mem>>)
      %dma_wait3A_9 = tpu.memref_slice %arg3[%mul3A_2] : memref<10240xi32, #tpu.memory_space<hbm>> -> memref<320xi32, #tpu.memory_space<hbm>>
      %dma_wait3A_10 = tpu.memref_slice %arg3[%mul3A_2] : memref<10240xi32, #tpu.memory_space<hbm>> -> memref<320xi32, #tpu.memory_space<hbm>>
      tpu.wait_dma2 semaphore(%run_scoped3A : memref<!tpu.dma_semaphore, #tpu.memory_space<semaphore_mem>>) src(%dma_wait3A_10 : memref<320xi32, #tpu.memory_space<hbm>>) dst(%arg5 : memref<320xi32, #tpu.memory_space<vmem>>)
      tpu.yield
    }) : () -> ()
    %dma_start3A = arith.constant 0 : i32
    %dma_start3A_3 = arith.constant 0 : i32
    %dma_start3A_4 = tpu.memref_slice %arg2[%dma_start3A, %dma_start3A_3] : memref<100x128xf32, #tpu.memory_space<hbm>> -> memref<100x128xf32, #tpu.memory_space<hbm>>
    tpu.enqueue_indirect_dma source(%dma_start3A_4 : memref<100x128xf32, #tpu.memory_space<hbm>>) target(%arg6 : memref<320x128xf32, #tpu.memory_space<vmem>>) offsets(%arg5 : memref<320xi32, #tpu.memory_space<vmem>>) semaphore(%arg7 : memref<!tpu.dma_semaphore, #tpu.memory_space<semaphore_mem>>)
    %dma_wait3A = arith.constant 0 : i32
    %dma_wait3A_5 = arith.constant 0 : i32
    %dma_wait3A_6 = tpu.memref_slice %arg2[%dma_wait3A, %dma_wait3A_5] : memref<100x128xf32, #tpu.memory_space<hbm>> -> memref<100x128xf32, #tpu.memory_space<hbm>>
    tpu.wait_indirect_dma semaphore(%arg7 : memref<!tpu.dma_semaphore, #tpu.memory_space<semaphore_mem>>) src(%dma_wait3A_6 : memref<100x128xf32, #tpu.memory_space<hbm>>) dst(%arg6 : memref<320x128xf32, #tpu.memory_space<vmem>>)
    "tpu.region"() ({
      %run_scoped3A = tpu.sem_alloc : memref<!tpu.dma_semaphore, #tpu.memory_space<semaphore_mem>>
      %dma_start3A_7 = arith.constant 0 : i32
      %dma_start3A_8 = tpu.memref_slice %arg4[%mul3A_2, %dma_start3A_7] : memref<10240x128xf32, #tpu.memory_space<hbm>> -> memref<320x128xf32, #tpu.memory_space<hbm>>
      %dma_start3A_9 = arith.constant 0 : i32
      %dma_start3A_10 = tpu.memref_slice %arg4[%mul3A_2, %dma_start3A_9] : memref<10240x128xf32, #tpu.memory_space<hbm>> -> memref<320x128xf32, #tpu.memory_space<hbm>>
      tpu.enqueue_dma source(%arg6 : memref<320x128xf32, #tpu.memory_space<vmem>>) target(%dma_start3A_10 : memref<320x128xf32, #tpu.memory_space<hbm>>) target_semaphore(%run_scoped3A : memref<!tpu.dma_semaphore, #tpu.memory_space<semaphore_mem>>)
      %dma_wait3A_11 = arith.constant 0 : i32
      %dma_wait3A_12 = tpu.memref_slice %arg4[%mul3A_2, %dma_wait3A_11] : memref<10240x128xf32, #tpu.memory_space<hbm>> -> memref<320x128xf32, #tpu.memory_space<hbm>>
      %dma_wait3A_13 = arith.constant 0 : i32
      %dma_wait3A_14 = tpu.memref_slice %arg4[%mul3A_2, %dma_wait3A_13] : memref<10240x128xf32, #tpu.memory_space<hbm>> -> memref<320x128xf32, #tpu.memory_space<hbm>>
      tpu.wait_dma2 semaphore(%run_scoped3A : memref<!tpu.dma_semaphore, #tpu.memory_space<semaphore_mem>>) src(%arg6 : memref<320x128xf32, #tpu.memory_space<vmem>>) dst(%dma_wait3A_14 : memref<320x128xf32, #tpu.memory_space<hbm>>)
      tpu.yield
    }) : () -> ()
    return
  }
}

module attributes {stable_mosaic.version = 14 : i64} {
  func.func @_mm_body(%arg0: i32, %arg1: memref<1024x128xf32, #tpu.memory_space<vmem>>, %arg2: memref<128x128xf32, #tpu.memory_space<vmem>>, %arg3: memref<1024x128xf32, #tpu.memory_space<vmem>>) attributes {dimension_semantics = [#tpu.dimension_semantics<arbitrary>], iteration_bounds = array<i64: 10>, scalar_prefetch = 0 : i64, scratch_operands = 0 : i64, tpu.core_type = #tpu.core_type<tc>, window_params = [{transform_indices = @transform_0, window_bounds = array<i64: 1024, 128>}, {pipeline_mode = #tpu.pipeline_mode<synchronous>, transform_indices = @transform_1, window_bounds = array<i64: 128, 128>}, {transform_indices = @transform_2, window_bounds = array<i64: 1024, 128>}]} {
    %get3A = arith.constant 0 : index
    %get3A_0 = arith.constant 0 : index
    %get3A_1 = vector.load %arg1[%get3A, %get3A_0] : memref<1024x128xf32, #tpu.memory_space<vmem>>, vector<1024x128xf32>
    %get3A_2 = arith.constant 0 : index
    %get3A_3 = arith.constant 0 : index
    %get3A_4 = vector.load %arg2[%get3A_2, %get3A_3] : memref<128x128xf32, #tpu.memory_space<vmem>>, vector<128x128xf32>
    %dot_general3A = arith.constant dense<0.000000e+00> : vector<1024x128xf32>
    %dot_general3A_5 = tpu.matmul %get3A_1, %get3A_4, %dot_general3A {dimension_numbers = #tpu.dot_dimension_numbers<[1], [0], [0], [1], [0, 0, 1, 1], [], []>, transpose_lhs_hint = false} : vector<1024x128xf32>, vector<128x128xf32>, vector<1024x128xf32> -> vector<1024x128xf32>
    %swap3A = arith.constant 0 : index
    %swap3A_6 = arith.constant 0 : index
    %swap3A_7 = vector.load %arg3[%swap3A, %swap3A_6] : memref<1024x128xf32, #tpu.memory_space<vmem>>, vector<1024x128xf32>
    tpu.vector_store %arg3[%swap3A, %swap3A_6], %dot_general3A_5 {strides = array<i32>} : memref<1024x128xf32, #tpu.memory_space<vmem>>, vector<1024x128xf32>,
    return
  }
  func.func @transform_0(%arg0: i32) -> (i32, i32) {
    %c0_i32 = arith.constant 0 : i32
    %c0_i32_0 = arith.constant 0 : i32
    return %arg0, %c0_i32 : i32, i32
  }
  func.func @transform_1(%arg0: i32) -> (i32, i32) {
    %c0_i32 = arith.constant 0 : i32
    %c0_i32_0 = arith.constant 0 : i32
    %c0_i32_1 = arith.constant 0 : i32
    return %c0_i32, %c0_i32_0 : i32, i32
  }
  func.func @transform_2(%arg0: i32) -> (i32, i32) {
    %c0_i32 = arith.constant 0 : i32
    %c0_i32_0 = arith.constant 0 : i32
    return %arg0, %c0_i32 : i32, i32
  }
}

module attributes {stable_mosaic.version = 14 : i64} {
  func.func @_banded_body(%arg0: i32, %arg1: memref<160xi32, #tpu.memory_space<smem>>, %arg2: memref<160xi32, #tpu.memory_space<smem>>, %arg3: memref<160xi32, #tpu.memory_space<smem>>, %arg4: memref<160xi32, #tpu.memory_space<smem>>, %arg5: memref<160xi32, #tpu.memory_space<smem>>, %arg6: memref<10240x8xf32, #tpu.memory_space<vmem>>, %arg7: memref<10240x64xf32, #tpu.memory_space<vmem>>, %arg8: memref<10240x128xf32, #tpu.memory_space<vmem>>, %arg9: memref<64x128xf32, #tpu.memory_space<vmem>>, %arg10: memref<1x128xf32, #tpu.memory_space<vmem>>, %arg11: memref<128x128xf32, #tpu.memory_space<vmem>>, %arg12: memref<1x128xf32, #tpu.memory_space<vmem>>, %arg13: memref<4096x64xf32, #tpu.memory_space<vmem>>, %arg14: memref<64x128xf32, #tpu.memory_space<vmem>>) attributes {dimension_semantics = [#tpu.dimension_semantics<arbitrary>], iteration_bounds = array<i64: 160>, scalar_prefetch = 5 : i64, scratch_operands = 0 : i64, tpu.core_type = #tpu.core_type<tc>, window_params = [{pipeline_mode = #tpu.pipeline_mode<synchronous>, transform_indices = @transform_0, window_bounds = array<i64: 10240, 8>}, {pipeline_mode = #tpu.pipeline_mode<synchronous>, transform_indices = @transform_1, window_bounds = array<i64: 10240, 64>}, {pipeline_mode = #tpu.pipeline_mode<synchronous>, transform_indices = @transform_2, window_bounds = array<i64: 10240, 128>}, {pipeline_mode = #tpu.pipeline_mode<synchronous>, transform_indices = @transform_3, window_bounds = array<i64: 64, 128>}, {pipeline_mode = #tpu.pipeline_mode<synchronous>, transform_indices = @transform_4, window_bounds = array<i64: 1, 128>}, {pipeline_mode = #tpu.pipeline_mode<synchronous>, transform_indices = @transform_5, window_bounds = array<i64: 128, 128>}, {pipeline_mode = #tpu.pipeline_mode<synchronous>, transform_indices = @transform_6, window_bounds = array<i64: 1, 128>}, {pipeline_mode = #tpu.pipeline_mode<synchronous>, transform_indices = @transform_7, window_bounds = array<i64: 4096, 64>}, {transform_indices = @transform_8, window_bounds = array<i64: 64, 128>}]} {
    %get3A = arith.index_cast %arg0 : i32 to index
    %get3A_0 = memref.load %arg1[%get3A] : memref<160xi32, #tpu.memory_space<smem>>
    %get3A_1 = arith.index_cast %arg0 : i32 to index
    %get3A_2 = memref.load %arg2[%get3A_1] : memref<160xi32, #tpu.memory_space<smem>>
    %get3A_3 = arith.index_cast %arg0 : i32 to index
    %get3A_4 = memref.load %arg3[%get3A_3] : memref<160xi32, #tpu.memory_space<smem>>
    %get3A_5 = arith.index_cast %arg0 : i32 to index
    %get3A_6 = memref.load %arg4[%get3A_5] : memref<160xi32, #tpu.memory_space<smem>>
    %get3A_7 = arith.index_cast %arg0 : i32 to index
    %get3A_8 = memref.load %arg5[%get3A_7] : memref<160xi32, #tpu.memory_space<smem>>
    %mul3A = arith.constant 64 : i32
    %mul3A_9 = arith.muli %arg0, %mul3A : i32
    %sub3A = arith.constant 10176 : i32
    %sub3A_10 = arith.subi %sub3A, %get3A_2 : i32
    %jit3A = arith.constant 64 : i32
    %div3A = arith.divsi %sub3A_10, %jit3A : i32
    %sign3A = arith.constant 0 : i32
    %sign3A_11 = arith.cmpi sgt, %sub3A_10, %sign3A : i32
    %sign3A_12 = arith.extui %sign3A_11 : i1 to i32
    %sign3A_13 = arith.constant 0 : i32
    %sign3A_14 = arith.cmpi slt, %sub3A_10, %sign3A_13 : i32
    %sign3A_15 = arith.extui %sign3A_14 : i1 to i32
    %sign3A_16 = arith.subi %sign3A_12, %sign3A_15 : i32
    %sign3A_17 = arith.constant 0 : i32
    %sign3A_18 = arith.cmpi sgt, %jit3A, %sign3A_17 : i32
    %sign3A_19 = arith.extui %sign3A_18 : i1 to i32
    %sign3A_20 = arith.constant 0 : i32
    %sign3A_21 = arith.cmpi slt, %jit3A, %sign3A_20 : i32
    %sign3A_22 = arith.extui %sign3A_21 : i1 to i32
    %sign3A_23 = arith.subi %sign3A_19, %sign3A_22 : i32
    %ne3A = arith.cmpi ne, %sign3A_16, %sign3A_23 : i32
    %rem3A = arith.remsi %sub3A_10, %jit3A : i32
    %ne3A_24 = arith.constant 0 : i32
    %ne3A_25 = arith.cmpi ne, %rem3A, %ne3A_24 : i32
    %and3A = arith.andi %ne3A, %ne3A_25 : i1
    %sub3A_26 = arith.constant 1 : i32
    %sub3A_27 = arith.subi %div3A, %sub3A_26 : i32
    %select_n3A = arith.select %and3A, %sub3A_27, %div3A : i32
    %sub3A_28 = arith.constant 10176 : i32
    %sub3A_29 = arith.subi %sub3A_28, %get3A_6 : i32
    %jit3A_30 = arith.constant 64 : i32
    %div3A_31 = arith.divsi %sub3A_29, %jit3A_30 : i32
    %sign3A_32 = arith.constant 0 : i32
    %sign3A_33 = arith.cmpi sgt, %sub3A_29, %sign3A_32 : i32
    %sign3A_34 = arith.extui %sign3A_33 : i1 to i32
    %sign3A_35 = arith.constant 0 : i32
    %sign3A_36 = arith.cmpi slt, %sub3A_29, %sign3A_35 : i32
    %sign3A_37 = arith.extui %sign3A_36 : i1 to i32
    %sign3A_38 = arith.subi %sign3A_34, %sign3A_37 : i32
    %sign3A_39 = arith.constant 0 : i32
    %sign3A_40 = arith.cmpi sgt, %jit3A_30, %sign3A_39 : i32
    %sign3A_41 = arith.extui %sign3A_40 : i1 to i32
    %sign3A_42 = arith.constant 0 : i32
    %sign3A_43 = arith.cmpi slt, %jit3A_30, %sign3A_42 : i32
    %sign3A_44 = arith.extui %sign3A_43 : i1 to i32
    %sign3A_45 = arith.subi %sign3A_41, %sign3A_44 : i32
    %ne3A_46 = arith.cmpi ne, %sign3A_38, %sign3A_45 : i32
    %rem3A_47 = arith.remsi %sub3A_29, %jit3A_30 : i32
    %ne3A_48 = arith.constant 0 : i32
    %ne3A_49 = arith.cmpi ne, %rem3A_47, %ne3A_48 : i32
    %and3A_50 = arith.andi %ne3A_46, %ne3A_49 : i1
    %sub3A_51 = arith.constant 1 : i32
    %sub3A_52 = arith.subi %div3A_31, %sub3A_51 : i32
    %select_n3A_53 = arith.select %and3A_50, %sub3A_52, %div3A_31 : i32
    %iota3A = tpu.iota {dimensions = array<i32: 1>} : vector<1x64xi32>
    %convert_element_type3A = arith.sitofp %iota3A : vector<1x64xi32> to vector<1x64xf32>
    %lt3A = arith.constant 5.000000e+01 : f32
    %lt3A_54 = vector.broadcast %lt3A : f32 to vector<1x64xf32>
    %lt3A_55 = arith.cmpf olt, %convert_element_type3A, %lt3A_54 : vector<1x64xf32>
    %mul3A_56 = arith.constant 0.20408164 : f32
    %mul3A_57 = vector.broadcast %mul3A_56 : f32 to vector<1x64xf32>
    %mul3A_58 = arith.mulf %convert_element_type3A, %mul3A_57 : vector<1x64xf32>
    %jit3A_59 = arith.constant 1.000000e+06 : f32
    %broadcast_in_dim3A = vector.broadcast %jit3A_59 : f32 to vector<1x64xf32>
    %select_n3A_60 = arith.select %lt3A_55, %mul3A_58, %broadcast_in_dim3A : vector<1x64xi1>, vector<1x64xf32>
    %get3A_61 = arith.index_cast %mul3A_9 : i32 to index
    %get3A_62 = arith.constant 0 : index
    %get3A_63 = vector.load %arg6[%get3A_61, %get3A_62] : memref<10240x8xf32, #tpu.memory_space<vmem>>, vector<64x8xf32>
    %slice3A = vector.extract_strided_slice %get3A_63 {offsets = [0, 0], sizes = [64, 1], strides = [1, 1]} : vector<64x8xf32> to vector<64x1xf32>
    %slice3A_64 = vector.extract_strided_slice %get3A_63 {offsets = [0, 1], sizes = [64, 1], strides = [1, 1]} : vector<64x8xf32> to vector<64x1xf32>
    %slice3A_65 = vector.extract_strided_slice %get3A_63 {offsets = [0, 2], sizes = [64, 1], strides = [1, 1]} : vector<64x8xf32> to vector<64x1xf32>
    %slice3A_66 = vector.extract_strided_slice %get3A_63 {offsets = [0, 3], sizes = [64, 1], strides = [1, 1]} : vector<64x8xf32> to vector<64x1xf32>
    %slice3A_67 = vector.extract_strided_slice %get3A_63 {offsets = [0, 4], sizes = [64, 1], strides = [1, 1]} : vector<64x8xf32> to vector<64x1xf32>
    %iota3A_68 = tpu.iota {dimensions = array<i32: 0>} : vector<64x1xi32>
    %add3A = vector.broadcast %mul3A_9 : i32 to vector<64x1xi32>
    %add3A_69 = arith.addi %add3A, %iota3A_68 : vector<64x1xi32>
    %get3A_70 = arith.constant 0 : index
    %get3A_71 = arith.constant 0 : index
    %get3A_72 = vector.load %arg9[%get3A_70, %get3A_71] : memref<64x128xf32, #tpu.memory_space<vmem>>, vector<64x128xf32>
    %get3A_73 = arith.constant 0 : index
    %get3A_74 = arith.constant 0 : index
    %get3A_75 = vector.load %arg10[%get3A_73, %get3A_74] : memref<1x128xf32, #tpu.memory_space<vmem>>, vector<1x128xf32>
    %get3A_76 = arith.constant 0 : index
    %get3A_77 = arith.constant 0 : index
    %get3A_78 = vector.load %arg11[%get3A_76, %get3A_77] : memref<128x128xf32, #tpu.memory_space<vmem>>, vector<128x128xf32>
    %get3A_79 = arith.constant 0 : index
    %get3A_80 = arith.constant 0 : index
    %get3A_81 = vector.load %arg12[%get3A_79, %get3A_80] : memref<1x128xf32, #tpu.memory_space<vmem>>, vector<1x128xf32>
    %get3A_82 = arith.constant 0 : index
    %get3A_83 = arith.constant 0 : index
    %get3A_84 = vector.load %arg13[%get3A_82, %get3A_83] : memref<4096x64xf32, #tpu.memory_space<vmem>>, vector<4096x64xf32>
    %broadcast_in_dim3A_85 = arith.constant 0.000000e+00 : f32
    %broadcast_in_dim3A_86 = vector.broadcast %broadcast_in_dim3A_85 : f32 to vector<64x128xf32>
    %while3A = arith.constant 0 : i32
    %while3A_87 = arith.subi %get3A_8, %while3A : i32
    %while3A_88 = arith.addi %while3A, %while3A_87 : i32
    %while3A_89 = arith.constant 1 : i32
    %while3A_90 = arith.divsi %while3A_87, %while3A_89 : i32
    %while3A_91 = arith.muli %while3A_90, %while3A_89 : i32
    %while3A_92 = arith.addi %while3A, %while3A_91 : i32
    %while3A_93 = arith.constant 1 : i32
    %while3A_94 = scf.for %while3A_99 = %while3A to %while3A_92 step %while3A_93 iter_args(%while3A_100 = %broadcast_in_dim3A_86) -> (vector<64x128xf32>)  : i32 {
      %min3A = arith.minsi %while3A_99, %select_n3A : i32
      %min3A_101 = arith.minsi %while3A_99, %select_n3A_53 : i32
      %mul3A_102 = arith.constant 64 : i32
      %mul3A_103 = arith.muli %min3A, %mul3A_102 : i32
      %add3A_104 = arith.addi %get3A_2, %mul3A_103 : i32
      %mul3A_105 = arith.constant 64 : i32
      %mul3A_106 = arith.muli %min3A_101, %mul3A_105 : i32
      %add3A_107 = arith.addi %get3A_6, %mul3A_106 : i32
      %mul3A_108 = arith.constant 8 : i32
      %mul3A_109 = arith.muli %mul3A_108, %min3A : i32
      %add3A_110 = arith.addi %get3A_0, %mul3A_109 : i32
      %get3A_111 = arith.index_cast %add3A_110 : i32 to index
      %get3A_112 = arith.constant 0 : index
      %get3A_113 = vector.load %arg7[%get3A_111, %get3A_112] : memref<10240x64xf32, #tpu.memory_space<vmem>>, vector<8x64xf32>
      %mul3A_114 = arith.constant 8 : i32
      %mul3A_115 = arith.muli %mul3A_114, %min3A_101 : i32
      %add3A_116 = arith.addi %get3A_4, %mul3A_115 : i32
      %get3A_117 = arith.index_cast %add3A_116 : i32 to index
      %get3A_118 = arith.constant 0 : index
      %get3A_119 = vector.load %arg7[%get3A_117, %get3A_118] : memref<10240x64xf32, #tpu.memory_space<vmem>>, vector<8x64xf32>
      %get3A_120 = arith.index_cast %add3A_104 : i32 to index
      %get3A_121 = arith.constant 0 : index
      %get3A_122 = vector.load %arg8[%get3A_120, %get3A_121] : memref<10240x128xf32, #tpu.memory_space<vmem>>, vector<64x128xf32>
      %get3A_123 = arith.index_cast %add3A_107 : i32 to index
      %get3A_124 = arith.constant 0 : index
      %get3A_125 = vector.load %arg8[%get3A_123, %get3A_124] : memref<10240x128xf32, #tpu.memory_space<vmem>>, vector<64x128xf32>
      %iota3A_126 = tpu.iota {dimensions = array<i32: 1>} : vector<1x64xi32>
      %slice3A_127 = vector.extract_strided_slice %get3A_113 {offsets = [0, 0], sizes = [1, 64], strides = [1, 1]} : vector<8x64xf32> to vector<1x64xf32>
      %slice3A_128 = vector.extract_strided_slice %get3A_119 {offsets = [0, 0], sizes = [1, 64], strides = [1, 1]} : vector<8x64xf32> to vector<1x64xf32>
      %broadcast_in_dim3A_129 = vector.shape_cast %slice3A_127 : vector<1x64xf32> to vector<1x64xf32>
      %broadcast_in_dim3A_130 = vector.broadcast %broadcast_in_dim3A_129 : vector<1x64xf32> to vector<32x64xf32>
      %broadcast_in_dim3A_131 = vector.shape_cast %slice3A_128 : vector<1x64xf32> to vector<1x64xf32>
      %broadcast_in_dim3A_132 = vector.broadcast %broadcast_in_dim3A_131 : vector<1x64xf32> to vector<32x64xf32>
      %concatenate3A = tpu.concatenate %broadcast_in_dim3A_130, %broadcast_in_dim3A_132 in 0 : vector<32x64xf32>, vector<32x64xf32> -> vector<64x64xf32>
      %slice3A_133 = vector.extract_strided_slice %get3A_113 {offsets = [1, 0], sizes = [1, 64], strides = [1, 1]} : vector<8x64xf32> to vector<1x64xf32>
      %slice3A_134 = vector.extract_strided_slice %get3A_119 {offsets = [1, 0], sizes = [1, 64], strides = [1, 1]} : vector<8x64xf32> to vector<1x64xf32>
      %broadcast_in_dim3A_135 = vector.shape_cast %slice3A_133 : vector<1x64xf32> to vector<1x64xf32>
      %broadcast_in_dim3A_136 = vector.broadcast %broadcast_in_dim3A_135 : vector<1x64xf32> to vector<32x64xf32>
      %broadcast_in_dim3A_137 = vector.shape_cast %slice3A_134 : vector<1x64xf32> to vector<1x64xf32>
      %broadcast_in_dim3A_138 = vector.broadcast %broadcast_in_dim3A_137 : vector<1x64xf32> to vector<32x64xf32>
      %concatenate3A_139 = tpu.concatenate %broadcast_in_dim3A_136, %broadcast_in_dim3A_138 in 0 : vector<32x64xf32>, vector<32x64xf32> -> vector<64x64xf32>
      %slice3A_140 = vector.extract_strided_slice %get3A_113 {offsets = [2, 0], sizes = [1, 64], strides = [1, 1]} : vector<8x64xf32> to vector<1x64xf32>
      %slice3A_141 = vector.extract_strided_slice %get3A_119 {offsets = [2, 0], sizes = [1, 64], strides = [1, 1]} : vector<8x64xf32> to vector<1x64xf32>
      %broadcast_in_dim3A_142 = vector.shape_cast %slice3A_140 : vector<1x64xf32> to vector<1x64xf32>
      %broadcast_in_dim3A_143 = vector.broadcast %broadcast_in_dim3A_142 : vector<1x64xf32> to vector<32x64xf32>
      %broadcast_in_dim3A_144 = vector.shape_cast %slice3A_141 : vector<1x64xf32> to vector<1x64xf32>
      %broadcast_in_dim3A_145 = vector.broadcast %broadcast_in_dim3A_144 : vector<1x64xf32> to vector<32x64xf32>
      %concatenate3A_146 = tpu.concatenate %broadcast_in_dim3A_143, %broadcast_in_dim3A_145 in 0 : vector<32x64xf32>, vector<32x64xf32> -> vector<64x64xf32>
      %slice3A_147 = vector.extract_strided_slice %get3A_113 {offsets = [3, 0], sizes = [1, 64], strides = [1, 1]} : vector<8x64xf32> to vector<1x64xf32>
      %slice3A_148 = vector.extract_strided_slice %get3A_119 {offsets = [3, 0], sizes = [1, 64], strides = [1, 1]} : vector<8x64xf32> to vector<1x64xf32>
      %broadcast_in_dim3A_149 = vector.shape_cast %slice3A_147 : vector<1x64xf32> to vector<1x64xf32>
      %broadcast_in_dim3A_150 = vector.broadcast %broadcast_in_dim3A_149 : vector<1x64xf32> to vector<32x64xf32>
      %broadcast_in_dim3A_151 = vector.shape_cast %slice3A_148 : vector<1x64xf32> to vector<1x64xf32>
      %broadcast_in_dim3A_152 = vector.broadcast %broadcast_in_dim3A_151 : vector<1x64xf32> to vector<32x64xf32>
      %concatenate3A_153 = tpu.concatenate %broadcast_in_dim3A_150, %broadcast_in_dim3A_152 in 0 : vector<32x64xf32>, vector<32x64xf32> -> vector<64x64xf32>
      %slice3A_154 = vector.extract_strided_slice %get3A_113 {offsets = [4, 0], sizes = [1, 64], strides = [1, 1]} : vector<8x64xf32> to vector<1x64xf32>
      %slice3A_155 = vector.extract_strided_slice %get3A_119 {offsets = [4, 0], sizes = [1, 64], strides = [1, 1]} : vector<8x64xf32> to vector<1x64xf32>
      %broadcast_in_dim3A_156 = vector.shape_cast %slice3A_154 : vector<1x64xf32> to vector<1x64xf32>
      %broadcast_in_dim3A_157 = vector.broadcast %broadcast_in_dim3A_156 : vector<1x64xf32> to vector<32x64xf32>
      %broadcast_in_dim3A_158 = vector.shape_cast %slice3A_155 : vector<1x64xf32> to vector<1x64xf32>
      %broadcast_in_dim3A_159 = vector.broadcast %broadcast_in_dim3A_158 : vector<1x64xf32> to vector<32x64xf32>
      %concatenate3A_160 = tpu.concatenate %broadcast_in_dim3A_157, %broadcast_in_dim3A_159 in 0 : vector<32x64xf32>, vector<32x64xf32> -> vector<64x64xf32>
      %add3A_161 = vector.broadcast %add3A_104 : i32 to vector<1x64xi32>
      %add3A_162 = arith.addi %add3A_161, %iota3A_126 : vector<1x64xi32>
      %add3A_163 = vector.broadcast %add3A_107 : i32 to vector<1x64xi32>
      %add3A_164 = arith.addi %add3A_163, %iota3A_126 : vector<1x64xi32>
      %broadcast_in_dim3A_165 = vector.shape_cast %add3A_162 : vector<1x64xi32> to vector<1x64xi32>
      %broadcast_in_dim3A_166 = vector.broadcast %broadcast_in_dim3A_165 : vector<1x64xi32> to vector<32x64xi32>
      %broadcast_in_dim3A_167 = vector.shape_cast %add3A_164 : vector<1x64xi32> to vector<1x64xi32>
      %broadcast_in_dim3A_168 = vector.broadcast %broadcast_in_dim3A_167 : vector<1x64xi32> to vector<32x64xi32>
      %concatenate3A_169 = tpu.concatenate %broadcast_in_dim3A_166, %broadcast_in_dim3A_168 in 0 : vector<32x64xi32>, vector<32x64xi32> -> vector<64x64xi32>
      %mul3A_170 = vector.broadcast %slice3A_65 : vector<64x1xf32> to vector<64x64xf32>
      %mul3A_171 = arith.mulf %mul3A_170, %concatenate3A_146 : vector<64x64xf32>
      %mul3A_172 = vector.broadcast %slice3A_66 : vector<64x1xf32> to vector<64x64xf32>
      %mul3A_173 = arith.mulf %mul3A_172, %concatenate3A_153 : vector<64x64xf32>
      %add3A_174 = arith.addf %mul3A_171, %mul3A_173 : vector<64x64xf32>
      %mul3A_175 = vector.broadcast %slice3A_67 : vector<64x1xf32> to vector<64x64xf32>
      %mul3A_176 = arith.mulf %mul3A_175, %concatenate3A_160 : vector<64x64xf32>
      %add3A_177 = arith.addf %add3A_174, %mul3A_176 : vector<64x64xf32>
      %add3A_178 = vector.broadcast %slice3A_64 : vector<64x1xf32> to vector<64x64xf32>
      %add3A_179 = arith.addf %add3A_178, %concatenate3A_139 : vector<64x64xf32>
      %mul3A_180 = arith.constant 2.000000e+00 : f32
      %mul3A_181 = vector.broadcast %mul3A_180 : f32 to vector<64x64xf32>
      %mul3A_182 = arith.mulf %mul3A_181, %add3A_177 : vector<64x64xf32>
      %sub3A_183 = arith.subf %add3A_179, %mul3A_182 : vector<64x64xf32>
      %lt3A_184 = arith.constant 1.000000e+02 : f32
      %lt3A_185 = vector.broadcast %lt3A_184 : f32 to vector<64x64xf32>
      %lt3A_186 = arith.cmpf olt, %sub3A_183, %lt3A_185 : vector<64x64xf32>
      %eq3A = vector.broadcast %slice3A : vector<64x1xf32> to vector<64x64xf32>
      %eq3A_187 = arith.cmpf oeq, %eq3A, %concatenate3A : vector<64x64xf32>
      %and3A_188 = arith.andi %lt3A_186, %eq3A_187 : vector<64x64xi1>
      %ne3A_189 = vector.broadcast %add3A_69 : vector<64x1xi32> to vector<64x64xi32>
      %ne3A_190 = arith.cmpi ne, %ne3A_189, %concatenate3A_169 : vector<64x64xi32>
      %and3A_191 = arith.andi %and3A_188, %ne3A_190 : vector<64x64xi1>
      %sub3A_192 = vector.broadcast %slice3A_65 : vector<64x1xf32> to vector<64x64xf32>
      %sub3A_193 = arith.subf %sub3A_192, %concatenate3A_146 : vector<64x64xf32>
      %sub3A_194 = vector.broadcast %slice3A_66 : vector<64x1xf32> to vector<64x64xf32>
      %sub3A_195 = arith.subf %sub3A_194, %concatenate3A_153 : vector<64x64xf32>
      %sub3A_196 = vector.broadcast %slice3A_67 : vector<64x1xf32> to vector<64x64xf32>
      %sub3A_197 = arith.subf %sub3A_196, %concatenate3A_160 : vector<64x64xf32>
      %mul3A_198 = arith.mulf %sub3A_193, %sub3A_193 : vector<64x64xf32>
      %mul3A_199 = arith.mulf %sub3A_195, %sub3A_195 : vector<64x64xf32>
      %add3A_200 = arith.addf %mul3A_198, %mul3A_199 : vector<64x64xf32>
      %mul3A_201 = arith.mulf %sub3A_197, %sub3A_197 : vector<64x64xf32>
      %add3A_202 = arith.addf %add3A_200, %mul3A_201 : vector<64x64xf32>
      %sqrt3A = math.sqrt %add3A_202 : vector<64x64xf32>
      %mul3A_203 = arith.constant 0.314159274 : f32
      %mul3A_204 = vector.broadcast %mul3A_203 : f32 to vector<64x64xf32>
      %mul3A_205 = arith.mulf %sqrt3A, %mul3A_204 : vector<64x64xf32>
      %cos3A = math.cos %mul3A_205 : vector<64x64xf32>
      %add3A_206 = arith.constant 1.000000e+00 : f32
      %add3A_207 = vector.broadcast %add3A_206 : f32 to vector<64x64xf32>
      %add3A_208 = arith.addf %cos3A, %add3A_207 : vector<64x64xf32>
      %mul3A_209 = arith.constant 5.000000e-01 : f32
      %mul3A_210 = vector.broadcast %mul3A_209 : f32 to vector<64x64xf32>
      %mul3A_211 = arith.mulf %mul3A_210, %add3A_208 : vector<64x64xf32>
      %jit3A_212 = arith.constant 0.000000e+00 : f32
      %broadcast_in_dim3A_213 = vector.broadcast %jit3A_212 : f32 to vector<64x64xf32>
      %select_n3A_214 = arith.select %and3A_191, %mul3A_211, %broadcast_in_dim3A_213 : vector<64x64xi1>, vector<64x64xf32>
      %concatenate3A_215 = tpu.concatenate %sqrt3A, %select_n3A_214 in 1 : vector<64x64xf32>, vector<64x64xf32> -> vector<64x128xf32>
      %broadcast_in_dim3A_216 = vector.shape_cast %concatenate3A_215 : vector<64x128xf32> to vector<64x1x128xf32>
      %broadcast_in_dim3A_217 = vector.broadcast %broadcast_in_dim3A_216 : vector<64x1x128xf32> to vector<64x64x128xf32>
      %reshape3A = vector.shape_cast %broadcast_in_dim3A_217 : vector<64x64x128xf32> to vector<4096x128xf32>
      %slice3A_218 = vector.extract_strided_slice %reshape3A {offsets = [0, 0], sizes = [4096, 64], strides = [1, 1]} : vector<4096x128xf32> to vector<4096x64xf32>
      %mul3A_219 = arith.mulf %slice3A_218, %get3A_84 : vector<4096x64xf32>
      %reduce_sum3A = arith.constant dense<0.000000e+00> : vector<4096xf32>
      %reduce_sum3A_220 = vector.multi_reduction <add>, %mul3A_219, %reduce_sum3A [1] : vector<4096x64xf32> to vector<4096xf32>
      %broadcast_in_dim3A_221 = vector.shape_cast %reduce_sum3A_220 : vector<4096xf32> to vector<4096x1xf32>
      %slice3A_222 = vector.extract_strided_slice %reshape3A {offsets = [0, 64], sizes = [4096, 64], strides = [1, 1]} : vector<4096x128xf32> to vector<4096x64xf32>
      %mul3A_223 = arith.mulf %slice3A_222, %get3A_84 : vector<4096x64xf32>
      %reduce_sum3A_224 = arith.constant dense<0.000000e+00> : vector<4096xf32>
      %reduce_sum3A_225 = vector.multi_reduction <add>, %mul3A_223, %reduce_sum3A_224 [1] : vector<4096x64xf32> to vector<4096xf32>
      %broadcast_in_dim3A_226 = vector.shape_cast %reduce_sum3A_225 : vector<4096xf32> to vector<4096x1xf32>
      %sub3A_227 = vector.broadcast %broadcast_in_dim3A_221 : vector<4096x1xf32> to vector<4096x64xf32>
      %sub3A_228 = vector.broadcast %select_n3A_60 : vector<1x64xf32> to vector<4096x64xf32>
      %sub3A_229 = arith.subf %sub3A_227, %sub3A_228 : vector<4096x64xf32>
      %integer_pow3A = arith.mulf %sub3A_229, %sub3A_229 : vector<4096x64xf32>
      %mul3A_230 = arith.constant -1.200500e+01 : f32
      %mul3A_231 = vector.broadcast %mul3A_230 : f32 to vector<4096x64xf32>
      %mul3A_232 = arith.mulf %mul3A_231, %integer_pow3A : vector<4096x64xf32>
      %exp3A = math.exp %mul3A_232 : vector<4096x64xf32>
      %dot_general3A = arith.constant dense<0.000000e+00> : vector<4096x128xf32>
      %dot_general3A_233 = tpu.matmul %exp3A, %get3A_72, %dot_general3A {dimension_numbers = #tpu.dot_dimension_numbers<[1], [0], [0], [1], [0, 0, 1, 1], [], []>, transpose_lhs_hint = false} : vector<4096x64xf32>, vector<64x128xf32>, vector<4096x128xf32> -> vector<4096x128xf32>
      %add3A_234 = vector.broadcast %get3A_75 : vector<1x128xf32> to vector<4096x128xf32>
      %add3A_235 = arith.addf %dot_general3A_233, %add3A_234 : vector<4096x128xf32>
      %custom_jvp_call3A = arith.constant 0.000000e+00 : f32
      %max3A = vector.broadcast %custom_jvp_call3A : f32 to vector<4096x128xf32>
      %max3A_236 = arith.maximumf %add3A_235, %max3A : vector<4096x128xf32>
      %sub3A_237 = vector.broadcast %custom_jvp_call3A : f32 to vector<4096x128xf32>
      %sub3A_238 = arith.subf %add3A_235, %sub3A_237 : vector<4096x128xf32>
      %ne3A_239 = arith.cmpf one, %sub3A_238, %sub3A_238 : vector<4096x128xf32>
      %add3A_240 = vector.broadcast %custom_jvp_call3A : f32 to vector<4096x128xf32>
      %add3A_241 = arith.addf %add3A_235, %add3A_240 : vector<4096x128xf32>
      %abs3A = math.absf %sub3A_238 : vector<4096x128xf32>
      %neg3A = arith.constant 0.000000e+00 : f32
      %neg3A_242 = vector.broadcast %neg3A : f32 to vector<4096x128xf32>
      %neg3A_243 = arith.subf %neg3A_242, %abs3A : vector<4096x128xf32>
      %exp3A_244 = math.exp %neg3A_243 : vector<4096x128xf32>
      %log1p3A = math.log1p %exp3A_244 : vector<4096x128xf32>
      %add3A_245 = arith.addf %max3A_236, %log1p3A : vector<4096x128xf32>
      %select_n3A_246 = arith.select %ne3A_239, %add3A_241, %add3A_245 : vector<4096x128xi1>, vector<4096x128xf32>
      %log3A = arith.constant 2.000000e+00 : f32
      %log3A_247 = math.log %log3A : f32
      %sub3A_248 = vector.broadcast %log3A_247 : f32 to vector<4096x128xf32>
      %sub3A_249 = arith.subf %select_n3A_246, %sub3A_248 : vector<4096x128xf32>
      %dot_general3A_250 = arith.constant dense<0.000000e+00> : vector<4096x128xf32>
      %dot_general3A_251 = tpu.matmul %sub3A_249, %get3A_78, %dot_general3A_250 {dimension_numbers = #tpu.dot_dimension_numbers<[1], [0], [0], [1], [0, 0, 1, 1], [], []>, transpose_lhs_hint = false} : vector<4096x128xf32>, vector<128x128xf32>, vector<4096x128xf32> -> vector<4096x128xf32>
      %add3A_252 = vector.broadcast %get3A_81 : vector<1x128xf32> to vector<4096x128xf32>
      %add3A_253 = arith.addf %dot_general3A_251, %add3A_252 : vector<4096x128xf32>
      %mul3A_254 = vector.broadcast %broadcast_in_dim3A_226 : vector<4096x1xf32> to vector<4096x128xf32>
      %mul3A_255 = arith.mulf %add3A_253, %mul3A_254 : vector<4096x128xf32>
      %slice3A_256 = vector.extract_strided_slice %mul3A_255 {offsets = [0, 0], sizes = [2048, 128], strides = [1, 1]} : vector<4096x128xf32> to vector<2048x128xf32>
      %reshape3A_257 = vector.shape_cast %slice3A_256 : vector<2048x128xf32> to vector<32x64x128xf32>
      %slice3A_258 = vector.extract_strided_slice %mul3A_255 {offsets = [2048, 0], sizes = [2048, 128], strides = [1, 1]} : vector<4096x128xf32> to vector<2048x128xf32>
      %reshape3A_259 = vector.shape_cast %slice3A_258 : vector<2048x128xf32> to vector<32x64x128xf32>
      %broadcast_in_dim3A_260 = vector.shape_cast %get3A_122 : vector<64x128xf32> to vector<1x64x128xf32>
      %mul3A_261 = vector.broadcast %broadcast_in_dim3A_260 : vector<1x64x128xf32> to vector<32x64x128xf32>
      %mul3A_262 = arith.mulf %reshape3A_257, %mul3A_261 : vector<32x64x128xf32>
      %reduce_sum3A_263 = arith.constant dense<0.000000e+00> : vector<32x128xf32>
      %reduce_sum3A_264 = vector.multi_reduction <add>, %mul3A_262, %reduce_sum3A_263 [1] : vector<32x64x128xf32> to vector<32x128xf32>
      %broadcast_in_dim3A_265 = vector.shape_cast %get3A_125 : vector<64x128xf32> to vector<1x64x128xf32>
      %mul3A_266 = vector.broadcast %broadcast_in_dim3A_265 : vector<1x64x128xf32> to vector<32x64x128xf32>
      %mul3A_267 = arith.mulf %reshape3A_259, %mul3A_266 : vector<32x64x128xf32>
      %reduce_sum3A_268 = arith.constant dense<0.000000e+00> : vector<32x128xf32>
      %reduce_sum3A_269 = vector.multi_reduction <add>, %mul3A_267, %reduce_sum3A_268 [1] : vector<32x64x128xf32> to vector<32x128xf32>
      %concatenate3A_270 = tpu.concatenate %reduce_sum3A_264, %reduce_sum3A_269 in 0 : vector<32x128xf32>, vector<32x128xf32> -> vector<64x128xf32>
      %add3A_271 = arith.addf %while3A_100, %concatenate3A_270 : vector<64x128xf32>
      scf.yield %add3A_271 : vector<64x128xf32>
    }
    %while3A_95 = arith.constant 1 : i32
    %while3A_96 = scf.for %while3A_99 = %while3A_92 to %while3A_88 step %while3A_95 iter_args(%while3A_100 = %while3A_94) -> (vector<64x128xf32>)  : i32 {
      %min3A = arith.minsi %while3A_99, %select_n3A : i32
      %min3A_101 = arith.minsi %while3A_99, %select_n3A_53 : i32
      %mul3A_102 = arith.constant 64 : i32
      %mul3A_103 = arith.muli %min3A, %mul3A_102 : i32
      %add3A_104 = arith.addi %get3A_2, %mul3A_103 : i32
      %mul3A_105 = arith.constant 64 : i32
      %mul3A_106 = arith.muli %min3A_101, %mul3A_105 : i32
      %add3A_107 = arith.addi %get3A_6, %mul3A_106 : i32
      %mul3A_108 = arith.constant 8 : i32
      %mul3A_109 = arith.muli %mul3A_108, %min3A : i32
      %add3A_110 = arith.addi %get3A_0, %mul3A_109 : i32
      %get3A_111 = arith.index_cast %add3A_110 : i32 to index
      %get3A_112 = arith.constant 0 : index
      %get3A_113 = vector.load %arg7[%get3A_111, %get3A_112] : memref<10240x64xf32, #tpu.memory_space<vmem>>, vector<8x64xf32>
      %mul3A_114 = arith.constant 8 : i32
      %mul3A_115 = arith.muli %mul3A_114, %min3A_101 : i32
      %add3A_116 = arith.addi %get3A_4, %mul3A_115 : i32
      %get3A_117 = arith.index_cast %add3A_116 : i32 to index
      %get3A_118 = arith.constant 0 : index
      %get3A_119 = vector.load %arg7[%get3A_117, %get3A_118] : memref<10240x64xf32, #tpu.memory_space<vmem>>, vector<8x64xf32>
      %get3A_120 = arith.index_cast %add3A_104 : i32 to index
      %get3A_121 = arith.constant 0 : index
      %get3A_122 = vector.load %arg8[%get3A_120, %get3A_121] : memref<10240x128xf32, #tpu.memory_space<vmem>>, vector<64x128xf32>
      %get3A_123 = arith.index_cast %add3A_107 : i32 to index
      %get3A_124 = arith.constant 0 : index
      %get3A_125 = vector.load %arg8[%get3A_123, %get3A_124] : memref<10240x128xf32, #tpu.memory_space<vmem>>, vector<64x128xf32>
      %iota3A_126 = tpu.iota {dimensions = array<i32: 1>} : vector<1x64xi32>
      %slice3A_127 = vector.extract_strided_slice %get3A_113 {offsets = [0, 0], sizes = [1, 64], strides = [1, 1]} : vector<8x64xf32> to vector<1x64xf32>
      %slice3A_128 = vector.extract_strided_slice %get3A_119 {offsets = [0, 0], sizes = [1, 64], strides = [1, 1]} : vector<8x64xf32> to vector<1x64xf32>
      %broadcast_in_dim3A_129 = vector.shape_cast %slice3A_127 : vector<1x64xf32> to vector<1x64xf32>
      %broadcast_in_dim3A_130 = vector.broadcast %broadcast_in_dim3A_129 : vector<1x64xf32> to vector<32x64xf32>
      %broadcast_in_dim3A_131 = vector.shape_cast %slice3A_128 : vector<1x64xf32> to vector<1x64xf32>
      %broadcast_in_dim3A_132 = vector.broadcast %broadcast_in_dim3A_131 : vector<1x64xf32> to vector<32x64xf32>
      %concatenate3A = tpu.concatenate %broadcast_in_dim3A_130, %broadcast_in_dim3A_132 in 0 : vector<32x64xf32>, vector<32x64xf32> -> vector<64x64xf32>
      %slice3A_133 = vector.extract_strided_slice %get3A_113 {offsets = [1, 0], sizes = [1, 64], strides = [1, 1]} : vector<8x64xf32> to vector<1x64xf32>
      %slice3A_134 = vector.extract_strided_slice %get3A_119 {offsets = [1, 0], sizes = [1, 64], strides = [1, 1]} : vector<8x64xf32> to vector<1x64xf32>
      %broadcast_in_dim3A_135 = vector.shape_cast %slice3A_133 : vector<1x64xf32> to vector<1x64xf32>
      %broadcast_in_dim3A_136 = vector.broadcast %broadcast_in_dim3A_135 : vector<1x64xf32> to vector<32x64xf32>
      %broadcast_in_dim3A_137 = vector.shape_cast %slice3A_134 : vector<1x64xf32> to vector<1x64xf32>
      %broadcast_in_dim3A_138 = vector.broadcast %broadcast_in_dim3A_137 : vector<1x64xf32> to vector<32x64xf32>
      %concatenate3A_139 = tpu.concatenate %broadcast_in_dim3A_136, %broadcast_in_dim3A_138 in 0 : vector<32x64xf32>, vector<32x64xf32> -> vector<64x64xf32>
      %slice3A_140 = vector.extract_strided_slice %get3A_113 {offsets = [2, 0], sizes = [1, 64], strides = [1, 1]} : vector<8x64xf32> to vector<1x64xf32>
      %slice3A_141 = vector.extract_strided_slice %get3A_119 {offsets = [2, 0], sizes = [1, 64], strides = [1, 1]} : vector<8x64xf32> to vector<1x64xf32>
      %broadcast_in_dim3A_142 = vector.shape_cast %slice3A_140 : vector<1x64xf32> to vector<1x64xf32>
      %broadcast_in_dim3A_143 = vector.broadcast %broadcast_in_dim3A_142 : vector<1x64xf32> to vector<32x64xf32>
      %broadcast_in_dim3A_144 = vector.shape_cast %slice3A_141 : vector<1x64xf32> to vector<1x64xf32>
      %broadcast_in_dim3A_145 = vector.broadcast %broadcast_in_dim3A_144 : vector<1x64xf32> to vector<32x64xf32>
      %concatenate3A_146 = tpu.concatenate %broadcast_in_dim3A_143, %broadcast_in_dim3A_145 in 0 : vector<32x64xf32>, vector<32x64xf32> -> vector<64x64xf32>
      %slice3A_147 = vector.extract_strided_slice %get3A_113 {offsets = [3, 0], sizes = [1, 64], strides = [1, 1]} : vector<8x64xf32> to vector<1x64xf32>
      %slice3A_148 = vector.extract_strided_slice %get3A_119 {offsets = [3, 0], sizes = [1, 64], strides = [1, 1]} : vector<8x64xf32> to vector<1x64xf32>
      %broadcast_in_dim3A_149 = vector.shape_cast %slice3A_147 : vector<1x64xf32> to vector<1x64xf32>
      %broadcast_in_dim3A_150 = vector.broadcast %broadcast_in_dim3A_149 : vector<1x64xf32> to vector<32x64xf32>
      %broadcast_in_dim3A_151 = vector.shape_cast %slice3A_148 : vector<1x64xf32> to vector<1x64xf32>
      %broadcast_in_dim3A_152 = vector.broadcast %broadcast_in_dim3A_151 : vector<1x64xf32> to vector<32x64xf32>
      %concatenate3A_153 = tpu.concatenate %broadcast_in_dim3A_150, %broadcast_in_dim3A_152 in 0 : vector<32x64xf32>, vector<32x64xf32> -> vector<64x64xf32>
      %slice3A_154 = vector.extract_strided_slice %get3A_113 {offsets = [4, 0], sizes = [1, 64], strides = [1, 1]} : vector<8x64xf32> to vector<1x64xf32>
      %slice3A_155 = vector.extract_strided_slice %get3A_119 {offsets = [4, 0], sizes = [1, 64], strides = [1, 1]} : vector<8x64xf32> to vector<1x64xf32>
      %broadcast_in_dim3A_156 = vector.shape_cast %slice3A_154 : vector<1x64xf32> to vector<1x64xf32>
      %broadcast_in_dim3A_157 = vector.broadcast %broadcast_in_dim3A_156 : vector<1x64xf32> to vector<32x64xf32>
      %broadcast_in_dim3A_158 = vector.shape_cast %slice3A_155 : vector<1x64xf32> to vector<1x64xf32>
      %broadcast_in_dim3A_159 = vector.broadcast %broadcast_in_dim3A_158 : vector<1x64xf32> to vector<32x64xf32>
      %concatenate3A_160 = tpu.concatenate %broadcast_in_dim3A_157, %broadcast_in_dim3A_159 in 0 : vector<32x64xf32>, vector<32x64xf32> -> vector<64x64xf32>
      %add3A_161 = vector.broadcast %add3A_104 : i32 to vector<1x64xi32>
      %add3A_162 = arith.addi %add3A_161, %iota3A_126 : vector<1x64xi32>
      %add3A_163 = vector.broadcast %add3A_107 : i32 to vector<1x64xi32>
      %add3A_164 = arith.addi %add3A_163, %iota3A_126 : vector<1x64xi32>
      %broadcast_in_dim3A_165 = vector.shape_cast %add3A_162 : vector<1x64xi32> to vector<1x64xi32>
      %broadcast_in_dim3A_166 = vector.broadcast %broadcast_in_dim3A_165 : vector<1x64xi32> to vector<32x64xi32>
      %broadcast_in_dim3A_167 = vector.shape_cast %add3A_164 : vector<1x64xi32> to vector<1x64xi32>
      %broadcast_in_dim3A_168 = vector.broadcast %broadcast_in_dim3A_167 : vector<1x64xi32> to vector<32x64xi32>
      %concatenate3A_169 = tpu.concatenate %broadcast_in_dim3A_166, %broadcast_in_dim3A_168 in 0 : vector<32x64xi32>, vector<32x64xi32> -> vector<64x64xi32>
      %mul3A_170 = vector.broadcast %slice3A_65 : vector<64x1xf32> to vector<64x64xf32>
      %mul3A_171 = arith.mulf %mul3A_170, %concatenate3A_146 : vector<64x64xf32>
      %mul3A_172 = vector.broadcast %slice3A_66 : vector<64x1xf32> to vector<64x64xf32>
      %mul3A_173 = arith.mulf %mul3A_172, %concatenate3A_153 : vector<64x64xf32>
      %add3A_174 = arith.addf %mul3A_171, %mul3A_173 : vector<64x64xf32>
      %mul3A_175 = vector.broadcast %slice3A_67 : vector<64x1xf32> to vector<64x64xf32>
      %mul3A_176 = arith.mulf %mul3A_175, %concatenate3A_160 : vector<64x64xf32>
      %add3A_177 = arith.addf %add3A_174, %mul3A_176 : vector<64x64xf32>
      %add3A_178 = vector.broadcast %slice3A_64 : vector<64x1xf32> to vector<64x64xf32>
      %add3A_179 = arith.addf %add3A_178, %concatenate3A_139 : vector<64x64xf32>
      %mul3A_180 = arith.constant 2.000000e+00 : f32
      %mul3A_181 = vector.broadcast %mul3A_180 : f32 to vector<64x64xf32>
      %mul3A_182 = arith.mulf %mul3A_181, %add3A_177 : vector<64x64xf32>
      %sub3A_183 = arith.subf %add3A_179, %mul3A_182 : vector<64x64xf32>
      %lt3A_184 = arith.constant 1.000000e+02 : f32
      %lt3A_185 = vector.broadcast %lt3A_184 : f32 to vector<64x64xf32>
      %lt3A_186 = arith.cmpf olt, %sub3A_183, %lt3A_185 : vector<64x64xf32>
      %eq3A = vector.broadcast %slice3A : vector<64x1xf32> to vector<64x64xf32>
      %eq3A_187 = arith.cmpf oeq, %eq3A, %concatenate3A : vector<64x64xf32>
      %and3A_188 = arith.andi %lt3A_186, %eq3A_187 : vector<64x64xi1>
      %ne3A_189 = vector.broadcast %add3A_69 : vector<64x1xi32> to vector<64x64xi32>
      %ne3A_190 = arith.cmpi ne, %ne3A_189, %concatenate3A_169 : vector<64x64xi32>
      %and3A_191 = arith.andi %and3A_188, %ne3A_190 : vector<64x64xi1>
      %sub3A_192 = vector.broadcast %slice3A_65 : vector<64x1xf32> to vector<64x64xf32>
      %sub3A_193 = arith.subf %sub3A_192, %concatenate3A_146 : vector<64x64xf32>
      %sub3A_194 = vector.broadcast %slice3A_66 : vector<64x1xf32> to vector<64x64xf32>
      %sub3A_195 = arith.subf %sub3A_194, %concatenate3A_153 : vector<64x64xf32>
      %sub3A_196 = vector.broadcast %slice3A_67 : vector<64x1xf32> to vector<64x64xf32>
      %sub3A_197 = arith.subf %sub3A_196, %concatenate3A_160 : vector<64x64xf32>
      %mul3A_198 = arith.mulf %sub3A_193, %sub3A_193 : vector<64x64xf32>
      %mul3A_199 = arith.mulf %sub3A_195, %sub3A_195 : vector<64x64xf32>
      %add3A_200 = arith.addf %mul3A_198, %mul3A_199 : vector<64x64xf32>
      %mul3A_201 = arith.mulf %sub3A_197, %sub3A_197 : vector<64x64xf32>
      %add3A_202 = arith.addf %add3A_200, %mul3A_201 : vector<64x64xf32>
      %sqrt3A = math.sqrt %add3A_202 : vector<64x64xf32>
      %mul3A_203 = arith.constant 0.314159274 : f32
      %mul3A_204 = vector.broadcast %mul3A_203 : f32 to vector<64x64xf32>
      %mul3A_205 = arith.mulf %sqrt3A, %mul3A_204 : vector<64x64xf32>
      %cos3A = math.cos %mul3A_205 : vector<64x64xf32>
      %add3A_206 = arith.constant 1.000000e+00 : f32
      %add3A_207 = vector.broadcast %add3A_206 : f32 to vector<64x64xf32>
      %add3A_208 = arith.addf %cos3A, %add3A_207 : vector<64x64xf32>
      %mul3A_209 = arith.constant 5.000000e-01 : f32
      %mul3A_210 = vector.broadcast %mul3A_209 : f32 to vector<64x64xf32>
      %mul3A_211 = arith.mulf %mul3A_210, %add3A_208 : vector<64x64xf32>
      %jit3A_212 = arith.constant 0.000000e+00 : f32
      %broadcast_in_dim3A_213 = vector.broadcast %jit3A_212 : f32 to vector<64x64xf32>
      %select_n3A_214 = arith.select %and3A_191, %mul3A_211, %broadcast_in_dim3A_213 : vector<64x64xi1>, vector<64x64xf32>
      %concatenate3A_215 = tpu.concatenate %sqrt3A, %select_n3A_214 in 1 : vector<64x64xf32>, vector<64x64xf32> -> vector<64x128xf32>
      %broadcast_in_dim3A_216 = vector.shape_cast %concatenate3A_215 : vector<64x128xf32> to vector<64x1x128xf32>
      %broadcast_in_dim3A_217 = vector.broadcast %broadcast_in_dim3A_216 : vector<64x1x128xf32> to vector<64x64x128xf32>
      %reshape3A = vector.shape_cast %broadcast_in_dim3A_217 : vector<64x64x128xf32> to vector<4096x128xf32>
      %slice3A_218 = vector.extract_strided_slice %reshape3A {offsets = [0, 0], sizes = [4096, 64], strides = [1, 1]} : vector<4096x128xf32> to vector<4096x64xf32>
      %mul3A_219 = arith.mulf %slice3A_218, %get3A_84 : vector<4096x64xf32>
      %reduce_sum3A = arith.constant dense<0.000000e+00> : vector<4096xf32>
      %reduce_sum3A_220 = vector.multi_reduction <add>, %mul3A_219, %reduce_sum3A [1] : vector<4096x64xf32> to vector<4096xf32>
      %broadcast_in_dim3A_221 = vector.shape_cast %reduce_sum3A_220 : vector<4096xf32> to vector<4096x1xf32>
      %slice3A_222 = vector.extract_strided_slice %reshape3A {offsets = [0, 64], sizes = [4096, 64], strides = [1, 1]} : vector<4096x128xf32> to vector<4096x64xf32>
      %mul3A_223 = arith.mulf %slice3A_222, %get3A_84 : vector<4096x64xf32>
      %reduce_sum3A_224 = arith.constant dense<0.000000e+00> : vector<4096xf32>
      %reduce_sum3A_225 = vector.multi_reduction <add>, %mul3A_223, %reduce_sum3A_224 [1] : vector<4096x64xf32> to vector<4096xf32>
      %broadcast_in_dim3A_226 = vector.shape_cast %reduce_sum3A_225 : vector<4096xf32> to vector<4096x1xf32>
      %sub3A_227 = vector.broadcast %broadcast_in_dim3A_221 : vector<4096x1xf32> to vector<4096x64xf32>
      %sub3A_228 = vector.broadcast %select_n3A_60 : vector<1x64xf32> to vector<4096x64xf32>
      %sub3A_229 = arith.subf %sub3A_227, %sub3A_228 : vector<4096x64xf32>
      %integer_pow3A = arith.mulf %sub3A_229, %sub3A_229 : vector<4096x64xf32>
      %mul3A_230 = arith.constant -1.200500e+01 : f32
      %mul3A_231 = vector.broadcast %mul3A_230 : f32 to vector<4096x64xf32>
      %mul3A_232 = arith.mulf %mul3A_231, %integer_pow3A : vector<4096x64xf32>
      %exp3A = math.exp %mul3A_232 : vector<4096x64xf32>
      %dot_general3A = arith.constant dense<0.000000e+00> : vector<4096x128xf32>
      %dot_general3A_233 = tpu.matmul %exp3A, %get3A_72, %dot_general3A {dimension_numbers = #tpu.dot_dimension_numbers<[1], [0], [0], [1], [0, 0, 1, 1], [], []>, transpose_lhs_hint = false} : vector<4096x64xf32>, vector<64x128xf32>, vector<4096x128xf32> -> vector<4096x128xf32>
      %add3A_234 = vector.broadcast %get3A_75 : vector<1x128xf32> to vector<4096x128xf32>
      %add3A_235 = arith.addf %dot_general3A_233, %add3A_234 : vector<4096x128xf32>
      %custom_jvp_call3A = arith.constant 0.000000e+00 : f32
      %max3A = vector.broadcast %custom_jvp_call3A : f32 to vector<4096x128xf32>
      %max3A_236 = arith.maximumf %add3A_235, %max3A : vector<4096x128xf32>
      %sub3A_237 = vector.broadcast %custom_jvp_call3A : f32 to vector<4096x128xf32>
      %sub3A_238 = arith.subf %add3A_235, %sub3A_237 : vector<4096x128xf32>
      %ne3A_239 = arith.cmpf one, %sub3A_238, %sub3A_238 : vector<4096x128xf32>
      %add3A_240 = vector.broadcast %custom_jvp_call3A : f32 to vector<4096x128xf32>
      %add3A_241 = arith.addf %add3A_235, %add3A_240 : vector<4096x128xf32>
      %abs3A = math.absf %sub3A_238 : vector<4096x128xf32>
      %neg3A = arith.constant 0.000000e+00 : f32
      %neg3A_242 = vector.broadcast %neg3A : f32 to vector<4096x128xf32>
      %neg3A_243 = arith.subf %neg3A_242, %abs3A : vector<4096x128xf32>
      %exp3A_244 = math.exp %neg3A_243 : vector<4096x128xf32>
      %log1p3A = math.log1p %exp3A_244 : vector<4096x128xf32>
      %add3A_245 = arith.addf %max3A_236, %log1p3A : vector<4096x128xf32>
      %select_n3A_246 = arith.select %ne3A_239, %add3A_241, %add3A_245 : vector<4096x128xi1>, vector<4096x128xf32>
      %log3A = arith.constant 2.000000e+00 : f32
      %log3A_247 = math.log %log3A : f32
      %sub3A_248 = vector.broadcast %log3A_247 : f32 to vector<4096x128xf32>
      %sub3A_249 = arith.subf %select_n3A_246, %sub3A_248 : vector<4096x128xf32>
      %dot_general3A_250 = arith.constant dense<0.000000e+00> : vector<4096x128xf32>
      %dot_general3A_251 = tpu.matmul %sub3A_249, %get3A_78, %dot_general3A_250 {dimension_numbers = #tpu.dot_dimension_numbers<[1], [0], [0], [1], [0, 0, 1, 1], [], []>, transpose_lhs_hint = false} : vector<4096x128xf32>, vector<128x128xf32>, vector<4096x128xf32> -> vector<4096x128xf32>
      %add3A_252 = vector.broadcast %get3A_81 : vector<1x128xf32> to vector<4096x128xf32>
      %add3A_253 = arith.addf %dot_general3A_251, %add3A_252 : vector<4096x128xf32>
      %mul3A_254 = vector.broadcast %broadcast_in_dim3A_226 : vector<4096x1xf32> to vector<4096x128xf32>
      %mul3A_255 = arith.mulf %add3A_253, %mul3A_254 : vector<4096x128xf32>
      %slice3A_256 = vector.extract_strided_slice %mul3A_255 {offsets = [0, 0], sizes = [2048, 128], strides = [1, 1]} : vector<4096x128xf32> to vector<2048x128xf32>
      %reshape3A_257 = vector.shape_cast %slice3A_256 : vector<2048x128xf32> to vector<32x64x128xf32>
      %slice3A_258 = vector.extract_strided_slice %mul3A_255 {offsets = [2048, 0], sizes = [2048, 128], strides = [1, 1]} : vector<4096x128xf32> to vector<2048x128xf32>
      %reshape3A_259 = vector.shape_cast %slice3A_258 : vector<2048x128xf32> to vector<32x64x128xf32>
      %broadcast_in_dim3A_260 = vector.shape_cast %get3A_122 : vector<64x128xf32> to vector<1x64x128xf32>
      %mul3A_261 = vector.broadcast %broadcast_in_dim3A_260 : vector<1x64x128xf32> to vector<32x64x128xf32>
      %mul3A_262 = arith.mulf %reshape3A_257, %mul3A_261 : vector<32x64x128xf32>
      %reduce_sum3A_263 = arith.constant dense<0.000000e+00> : vector<32x128xf32>
      %reduce_sum3A_264 = vector.multi_reduction <add>, %mul3A_262, %reduce_sum3A_263 [1] : vector<32x64x128xf32> to vector<32x128xf32>
      %broadcast_in_dim3A_265 = vector.shape_cast %get3A_125 : vector<64x128xf32> to vector<1x64x128xf32>
      %mul3A_266 = vector.broadcast %broadcast_in_dim3A_265 : vector<1x64x128xf32> to vector<32x64x128xf32>
      %mul3A_267 = arith.mulf %reshape3A_259, %mul3A_266 : vector<32x64x128xf32>
      %reduce_sum3A_268 = arith.constant dense<0.000000e+00> : vector<32x128xf32>
      %reduce_sum3A_269 = vector.multi_reduction <add>, %mul3A_267, %reduce_sum3A_268 [1] : vector<32x64x128xf32> to vector<32x128xf32>
      %concatenate3A_270 = tpu.concatenate %reduce_sum3A_264, %reduce_sum3A_269 in 0 : vector<32x128xf32>, vector<32x128xf32> -> vector<64x128xf32>
      %add3A_271 = arith.addf %while3A_100, %concatenate3A_270 : vector<64x128xf32>
      scf.yield %add3A_271 : vector<64x128xf32>
    }
    %swap3A = arith.constant 0 : index
    %swap3A_97 = arith.constant 0 : index
    %swap3A_98 = vector.load %arg14[%swap3A, %swap3A_97] : memref<64x128xf32, #tpu.memory_space<vmem>>, vector<64x128xf32>
    tpu.vector_store %arg14[%swap3A, %swap3A_97], %while3A_96 {strides = array<i32>} : memref<64x128xf32, #tpu.memory_space<vmem>>, vector<64x128xf32>,
    return
  }
  func.func @transform_0(%arg0: i32, %arg1: memref<160xi32, #tpu.memory_space<smem>>, %arg2: memref<160xi32, #tpu.memory_space<smem>>, %arg3: memref<160xi32, #tpu.memory_space<smem>>, %arg4: memref<160xi32, #tpu.memory_space<smem>>, %arg5: memref<160xi32, #tpu.memory_space<smem>>) -> (i32, i32) {
    %c0_i32 = arith.constant 0 : i32
    %c0_i32_0 = arith.constant 0 : i32
    %c0_i32_1 = arith.constant 0 : i32
    return %c0_i32, %c0_i32_0 : i32, i32
  }
  func.func @transform_1(%arg0: i32, %arg1: memref<160xi32, #tpu.memory_space<smem>>, %arg2: memref<160xi32, #tpu.memory_space<smem>>, %arg3: memref<160xi32, #tpu.memory_space<smem>>, %arg4: memref<160xi32, #tpu.memory_space<smem>>, %arg5: memref<160xi32, #tpu.memory_space<smem>>) -> (i32, i32) {
    %c0_i32 = arith.constant 0 : i32
    %c0_i32_0 = arith.constant 0 : i32
    %c0_i32_1 = arith.constant 0 : i32
    return %c0_i32, %c0_i32_0 : i32, i32
  }
  func.func @transform_2(%arg0: i32, %arg1: memref<160xi32, #tpu.memory_space<smem>>, %arg2: memref<160xi32, #tpu.memory_space<smem>>, %arg3: memref<160xi32, #tpu.memory_space<smem>>, %arg4: memref<160xi32, #tpu.memory_space<smem>>, %arg5: memref<160xi32, #tpu.memory_space<smem>>) -> (i32, i32) {
    %c0_i32 = arith.constant 0 : i32
    %c0_i32_0 = arith.constant 0 : i32
    %c0_i32_1 = arith.constant 0 : i32
    return %c0_i32, %c0_i32_0 : i32, i32
  }
  func.func @transform_3(%arg0: i32, %arg1: memref<160xi32, #tpu.memory_space<smem>>, %arg2: memref<160xi32, #tpu.memory_space<smem>>, %arg3: memref<160xi32, #tpu.memory_space<smem>>, %arg4: memref<160xi32, #tpu.memory_space<smem>>, %arg5: memref<160xi32, #tpu.memory_space<smem>>) -> (i32, i32) {
    %c0_i32 = arith.constant 0 : i32
    %c0_i32_0 = arith.constant 0 : i32
    %c0_i32_1 = arith.constant 0 : i32
    return %c0_i32, %c0_i32_0 : i32, i32
  }
  func.func @transform_4(%arg0: i32, %arg1: memref<160xi32, #tpu.memory_space<smem>>, %arg2: memref<160xi32, #tpu.memory_space<smem>>, %arg3: memref<160xi32, #tpu.memory_space<smem>>, %arg4: memref<160xi32, #tpu.memory_space<smem>>, %arg5: memref<160xi32, #tpu.memory_space<smem>>) -> (i32, i32) {
    %c0_i32 = arith.constant 0 : i32
    %c0_i32_0 = arith.constant 0 : i32
    %c0_i32_1 = arith.constant 0 : i32
    return %c0_i32, %c0_i32_0 : i32, i32
  }
  func.func @transform_5(%arg0: i32, %arg1: memref<160xi32, #tpu.memory_space<smem>>, %arg2: memref<160xi32, #tpu.memory_space<smem>>, %arg3: memref<160xi32, #tpu.memory_space<smem>>, %arg4: memref<160xi32, #tpu.memory_space<smem>>, %arg5: memref<160xi32, #tpu.memory_space<smem>>) -> (i32, i32) {
    %c0_i32 = arith.constant 0 : i32
    %c0_i32_0 = arith.constant 0 : i32
    %c0_i32_1 = arith.constant 0 : i32
    return %c0_i32, %c0_i32_0 : i32, i32
  }
  func.func @transform_6(%arg0: i32, %arg1: memref<160xi32, #tpu.memory_space<smem>>, %arg2: memref<160xi32, #tpu.memory_space<smem>>, %arg3: memref<160xi32, #tpu.memory_space<smem>>, %arg4: memref<160xi32, #tpu.memory_space<smem>>, %arg5: memref<160xi32, #tpu.memory_space<smem>>) -> (i32, i32) {
    %c0_i32 = arith.constant 0 : i32
    %c0_i32_0 = arith.constant 0 : i32
    %c0_i32_1 = arith.constant 0 : i32
    return %c0_i32, %c0_i32_0 : i32, i32
  }
  func.func @transform_7(%arg0: i32, %arg1: memref<160xi32, #tpu.memory_space<smem>>, %arg2: memref<160xi32, #tpu.memory_space<smem>>, %arg3: memref<160xi32, #tpu.memory_space<smem>>, %arg4: memref<160xi32, #tpu.memory_space<smem>>, %arg5: memref<160xi32, #tpu.memory_space<smem>>) -> (i32, i32) {
    %c0_i32 = arith.constant 0 : i32
    %c0_i32_0 = arith.constant 0 : i32
    %c0_i32_1 = arith.constant 0 : i32
    return %c0_i32, %c0_i32_0 : i32, i32
  }
  func.func @transform_8(%arg0: i32, %arg1: memref<160xi32, #tpu.memory_space<smem>>, %arg2: memref<160xi32, #tpu.memory_space<smem>>, %arg3: memref<160xi32, #tpu.memory_space<smem>>, %arg4: memref<160xi32, #tpu.memory_space<smem>>, %arg5: memref<160xi32, #tpu.memory_space<smem>>) -> (i32, i32) {
    %c0_i32 = arith.constant 0 : i32
    %c0_i32_0 = arith.constant 0 : i32
    return %arg0, %c0_i32 : i32, i32
  }
}

module attributes {stable_mosaic.version = 14 : i64} {
  func.func @_update_body(%arg0: i32, %arg1: memref<1024x128xf32, #tpu.memory_space<vmem>>, %arg2: memref<1024x128xf32, #tpu.memory_space<vmem>>, %arg3: memref<128x128xf32, #tpu.memory_space<vmem>>, %arg4: memref<1x128xf32, #tpu.memory_space<vmem>>, %arg5: memref<128x128xf32, #tpu.memory_space<vmem>>, %arg6: memref<1x128xf32, #tpu.memory_space<vmem>>, %arg7: memref<128x128xf32, #tpu.memory_space<vmem>>, %arg8: memref<1024x128xf32, #tpu.memory_space<vmem>>, %arg9: memref<1024x128xf32, #tpu.memory_space<vmem>>) attributes {dimension_semantics = [#tpu.dimension_semantics<arbitrary>], iteration_bounds = array<i64: 10>, scalar_prefetch = 0 : i64, scratch_operands = 0 : i64, tpu.core_type = #tpu.core_type<tc>, window_params = [{transform_indices = @transform_0, window_bounds = array<i64: 1024, 128>}, {transform_indices = @transform_1, window_bounds = array<i64: 1024, 128>}, {pipeline_mode = #tpu.pipeline_mode<synchronous>, transform_indices = @transform_2, window_bounds = array<i64: 128, 128>}, {pipeline_mode = #tpu.pipeline_mode<synchronous>, transform_indices = @transform_3, window_bounds = array<i64: 1, 128>}, {pipeline_mode = #tpu.pipeline_mode<synchronous>, transform_indices = @transform_4, window_bounds = array<i64: 128, 128>}, {pipeline_mode = #tpu.pipeline_mode<synchronous>, transform_indices = @transform_5, window_bounds = array<i64: 1, 128>}, {pipeline_mode = #tpu.pipeline_mode<synchronous>, transform_indices = @transform_6, window_bounds = array<i64: 128, 128>}, {transform_indices = @transform_7, window_bounds = array<i64: 1024, 128>}, {transform_indices = @transform_8, window_bounds = array<i64: 1024, 128>}]} {
    %get3A = arith.constant 0 : index
    %get3A_0 = arith.constant 0 : index
    %get3A_1 = vector.load %arg2[%get3A, %get3A_0] : memref<1024x128xf32, #tpu.memory_space<vmem>>, vector<1024x128xf32>
    %get3A_2 = arith.constant 0 : index
    %get3A_3 = arith.constant 0 : index
    %get3A_4 = vector.load %arg3[%get3A_2, %get3A_3] : memref<128x128xf32, #tpu.memory_space<vmem>>, vector<128x128xf32>
    %dot_general3A = arith.constant dense<0.000000e+00> : vector<1024x128xf32>
    %dot_general3A_5 = tpu.matmul %get3A_1, %get3A_4, %dot_general3A {dimension_numbers = #tpu.dot_dimension_numbers<[1], [0], [0], [1], [0, 0, 1, 1], [], []>, transpose_lhs_hint = false} : vector<1024x128xf32>, vector<128x128xf32>, vector<1024x128xf32> -> vector<1024x128xf32>
    %get3A_6 = arith.constant 0 : index
    %get3A_7 = arith.constant 0 : index
    %get3A_8 = vector.load %arg4[%get3A_6, %get3A_7] : memref<1x128xf32, #tpu.memory_space<vmem>>, vector<1x128xf32>
    %add3A = vector.broadcast %get3A_8 : vector<1x128xf32> to vector<1024x128xf32>
    %add3A_9 = arith.addf %dot_general3A_5, %add3A : vector<1024x128xf32>
    %custom_jvp_call3A = arith.constant 0.000000e+00 : f32
    %max3A = vector.broadcast %custom_jvp_call3A : f32 to vector<1024x128xf32>
    %max3A_10 = arith.maximumf %add3A_9, %max3A : vector<1024x128xf32>
    %sub3A = vector.broadcast %custom_jvp_call3A : f32 to vector<1024x128xf32>
    %sub3A_11 = arith.subf %add3A_9, %sub3A : vector<1024x128xf32>
    %ne3A = arith.cmpf one, %sub3A_11, %sub3A_11 : vector<1024x128xf32>
    %add3A_12 = vector.broadcast %custom_jvp_call3A : f32 to vector<1024x128xf32>
    %add3A_13 = arith.addf %add3A_9, %add3A_12 : vector<1024x128xf32>
    %abs3A = math.absf %sub3A_11 : vector<1024x128xf32>
    %neg3A = arith.constant 0.000000e+00 : f32
    %neg3A_14 = vector.broadcast %neg3A : f32 to vector<1024x128xf32>
    %neg3A_15 = arith.subf %neg3A_14, %abs3A : vector<1024x128xf32>
    %exp3A = math.exp %neg3A_15 : vector<1024x128xf32>
    %log1p3A = math.log1p %exp3A : vector<1024x128xf32>
    %add3A_16 = arith.addf %max3A_10, %log1p3A : vector<1024x128xf32>
    %select_n3A = arith.select %ne3A, %add3A_13, %add3A_16 : vector<1024x128xi1>, vector<1024x128xf32>
    %log3A = arith.constant 2.000000e+00 : f32
    %log3A_17 = math.log %log3A : f32
    %sub3A_18 = vector.broadcast %log3A_17 : f32 to vector<1024x128xf32>
    %sub3A_19 = arith.subf %select_n3A, %sub3A_18 : vector<1024x128xf32>
    %get3A_20 = arith.constant 0 : index
    %get3A_21 = arith.constant 0 : index
    %get3A_22 = vector.load %arg1[%get3A_20, %get3A_21] : memref<1024x128xf32, #tpu.memory_space<vmem>>, vector<1024x128xf32>
    %get3A_23 = arith.constant 0 : index
    %get3A_24 = arith.constant 0 : index
    %get3A_25 = vector.load %arg5[%get3A_23, %get3A_24] : memref<128x128xf32, #tpu.memory_space<vmem>>, vector<128x128xf32>
    %dot_general3A_26 = arith.constant dense<0.000000e+00> : vector<1024x128xf32>
    %dot_general3A_27 = tpu.matmul %sub3A_19, %get3A_25, %dot_general3A_26 {dimension_numbers = #tpu.dot_dimension_numbers<[1], [0], [0], [1], [0, 0, 1, 1], [], []>, transpose_lhs_hint = false} : vector<1024x128xf32>, vector<128x128xf32>, vector<1024x128xf32> -> vector<1024x128xf32>
    %add3A_28 = arith.addf %get3A_22, %dot_general3A_27 : vector<1024x128xf32>
    %get3A_29 = arith.constant 0 : index
    %get3A_30 = arith.constant 0 : index
    %get3A_31 = vector.load %arg6[%get3A_29, %get3A_30] : memref<1x128xf32, #tpu.memory_space<vmem>>, vector<1x128xf32>
    %add3A_32 = vector.broadcast %get3A_31 : vector<1x128xf32> to vector<1024x128xf32>
    %add3A_33 = arith.addf %add3A_28, %add3A_32 : vector<1024x128xf32>
    %swap3A = arith.constant 0 : index
    %swap3A_34 = arith.constant 0 : index
    %swap3A_35 = vector.load %arg8[%swap3A, %swap3A_34] : memref<1024x128xf32, #tpu.memory_space<vmem>>, vector<1024x128xf32>
    tpu.vector_store %arg8[%swap3A, %swap3A_34], %add3A_33 {strides = array<i32>} : memref<1024x128xf32, #tpu.memory_space<vmem>>, vector<1024x128xf32>,
    %get3A_36 = arith.constant 0 : index
    %get3A_37 = arith.constant 0 : index
    %get3A_38 = vector.load %arg7[%get3A_36, %get3A_37] : memref<128x128xf32, #tpu.memory_space<vmem>>, vector<128x128xf32>
    %dot_general3A_39 = arith.constant dense<0.000000e+00> : vector<1024x128xf32>
    %dot_general3A_40 = tpu.matmul %add3A_33, %get3A_38, %dot_general3A_39 {dimension_numbers = #tpu.dot_dimension_numbers<[1], [0], [0], [1], [0, 0, 1, 1], [], []>, transpose_lhs_hint = false} : vector<1024x128xf32>, vector<128x128xf32>, vector<1024x128xf32> -> vector<1024x128xf32>
    %swap3A_41 = arith.constant 0 : index
    %swap3A_42 = arith.constant 0 : index
    %swap3A_43 = vector.load %arg9[%swap3A_41, %swap3A_42] : memref<1024x128xf32, #tpu.memory_space<vmem>>, vector<1024x128xf32>
    tpu.vector_store %arg9[%swap3A_41, %swap3A_42], %dot_general3A_40 {strides = array<i32>} : memref<1024x128xf32, #tpu.memory_space<vmem>>, vector<1024x128xf32>,
    return
  }
  func.func @transform_0(%arg0: i32) -> (i32, i32) {
    %c0_i32 = arith.constant 0 : i32
    %c0_i32_0 = arith.constant 0 : i32
    return %arg0, %c0_i32 : i32, i32
  }
  func.func @transform_1(%arg0: i32) -> (i32, i32) {
    %c0_i32 = arith.constant 0 : i32
    %c0_i32_0 = arith.constant 0 : i32
    return %arg0, %c0_i32 : i32, i32
  }
  func.func @transform_2(%arg0: i32) -> (i32, i32) {
    %c0_i32 = arith.constant 0 : i32
    %c0_i32_0 = arith.constant 0 : i32
    %c0_i32_1 = arith.constant 0 : i32
    return %c0_i32, %c0_i32_0 : i32, i32
  }
  func.func @transform_3(%arg0: i32) -> (i32, i32) {
    %c0_i32 = arith.constant 0 : i32
    %c0_i32_0 = arith.constant 0 : i32
    %c0_i32_1 = arith.constant 0 : i32
    return %c0_i32, %c0_i32_0 : i32, i32
  }
  func.func @transform_4(%arg0: i32) -> (i32, i32) {
    %c0_i32 = arith.constant 0 : i32
    %c0_i32_0 = arith.constant 0 : i32
    %c0_i32_1 = arith.constant 0 : i32
    return %c0_i32, %c0_i32_0 : i32, i32
  }
  func.func @transform_5(%arg0: i32) -> (i32, i32) {
    %c0_i32 = arith.constant 0 : i32
    %c0_i32_0 = arith.constant 0 : i32
    %c0_i32_1 = arith.constant 0 : i32
    return %c0_i32, %c0_i32_0 : i32, i32
  }
  func.func @transform_6(%arg0: i32) -> (i32, i32) {
    %c0_i32 = arith.constant 0 : i32
    %c0_i32_0 = arith.constant 0 : i32
    %c0_i32_1 = arith.constant 0 : i32
    return %c0_i32, %c0_i32_0 : i32, i32
  }
  func.func @transform_7(%arg0: i32) -> (i32, i32) {
    %c0_i32 = arith.constant 0 : i32
    %c0_i32_0 = arith.constant 0 : i32
    return %arg0, %c0_i32 : i32, i32
  }
  func.func @transform_8(%arg0: i32) -> (i32, i32) {
    %c0_i32 = arith.constant 0 : i32
    %c0_i32_0 = arith.constant 0 : i32
    return %arg0, %c0_i32 : i32, i32
  }
}

module attributes {stable_mosaic.version = 14 : i64} {
  func.func @_update_body(%arg0: i32, %arg1: memref<1024x128xf32, #tpu.memory_space<vmem>>, %arg2: memref<1024x128xf32, #tpu.memory_space<vmem>>, %arg3: memref<128x128xf32, #tpu.memory_space<vmem>>, %arg4: memref<1x128xf32, #tpu.memory_space<vmem>>, %arg5: memref<128x128xf32, #tpu.memory_space<vmem>>, %arg6: memref<1x128xf32, #tpu.memory_space<vmem>>, %arg7: memref<128x128xf32, #tpu.memory_space<vmem>>, %arg8: memref<1024x128xf32, #tpu.memory_space<vmem>>, %arg9: memref<1024x128xf32, #tpu.memory_space<vmem>>) attributes {dimension_semantics = [#tpu.dimension_semantics<arbitrary>], iteration_bounds = array<i64: 10>, scalar_prefetch = 0 : i64, scratch_operands = 0 : i64, tpu.core_type = #tpu.core_type<tc>, window_params = [{transform_indices = @transform_0, window_bounds = array<i64: 1024, 128>}, {transform_indices = @transform_1, window_bounds = array<i64: 1024, 128>}, {pipeline_mode = #tpu.pipeline_mode<synchronous>, transform_indices = @transform_2, window_bounds = array<i64: 128, 128>}, {pipeline_mode = #tpu.pipeline_mode<synchronous>, transform_indices = @transform_3, window_bounds = array<i64: 1, 128>}, {pipeline_mode = #tpu.pipeline_mode<synchronous>, transform_indices = @transform_4, window_bounds = array<i64: 128, 128>}, {pipeline_mode = #tpu.pipeline_mode<synchronous>, transform_indices = @transform_5, window_bounds = array<i64: 1, 128>}, {pipeline_mode = #tpu.pipeline_mode<synchronous>, transform_indices = @transform_6, window_bounds = array<i64: 128, 128>}, {transform_indices = @transform_7, window_bounds = array<i64: 1024, 128>}, {transform_indices = @transform_8, window_bounds = array<i64: 1024, 128>}]} {
    %get3A = arith.constant 0 : index
    %get3A_0 = arith.constant 0 : index
    %get3A_1 = vector.load %arg2[%get3A, %get3A_0] : memref<1024x128xf32, #tpu.memory_space<vmem>>, vector<1024x128xf32>
    %get3A_2 = arith.constant 0 : index
    %get3A_3 = arith.constant 0 : index
    %get3A_4 = vector.load %arg3[%get3A_2, %get3A_3] : memref<128x128xf32, #tpu.memory_space<vmem>>, vector<128x128xf32>
    %dot_general3A = arith.constant dense<0.000000e+00> : vector<1024x128xf32>
    %dot_general3A_5 = tpu.matmul %get3A_1, %get3A_4, %dot_general3A {dimension_numbers = #tpu.dot_dimension_numbers<[1], [0], [0], [1], [0, 0, 1, 1], [], []>, transpose_lhs_hint = false} : vector<1024x128xf32>, vector<128x128xf32>, vector<1024x128xf32> -> vector<1024x128xf32>
    %get3A_6 = arith.constant 0 : index
    %get3A_7 = arith.constant 0 : index
    %get3A_8 = vector.load %arg4[%get3A_6, %get3A_7] : memref<1x128xf32, #tpu.memory_space<vmem>>, vector<1x128xf32>
    %add3A = vector.broadcast %get3A_8 : vector<1x128xf32> to vector<1024x128xf32>
    %add3A_9 = arith.addf %dot_general3A_5, %add3A : vector<1024x128xf32>
    %custom_jvp_call3A = arith.constant 0.000000e+00 : f32
    %max3A = vector.broadcast %custom_jvp_call3A : f32 to vector<1024x128xf32>
    %max3A_10 = arith.maximumf %add3A_9, %max3A : vector<1024x128xf32>
    %sub3A = vector.broadcast %custom_jvp_call3A : f32 to vector<1024x128xf32>
    %sub3A_11 = arith.subf %add3A_9, %sub3A : vector<1024x128xf32>
    %ne3A = arith.cmpf one, %sub3A_11, %sub3A_11 : vector<1024x128xf32>
    %add3A_12 = vector.broadcast %custom_jvp_call3A : f32 to vector<1024x128xf32>
    %add3A_13 = arith.addf %add3A_9, %add3A_12 : vector<1024x128xf32>
    %abs3A = math.absf %sub3A_11 : vector<1024x128xf32>
    %neg3A = arith.constant 0.000000e+00 : f32
    %neg3A_14 = vector.broadcast %neg3A : f32 to vector<1024x128xf32>
    %neg3A_15 = arith.subf %neg3A_14, %abs3A : vector<1024x128xf32>
    %exp3A = math.exp %neg3A_15 : vector<1024x128xf32>
    %log1p3A = math.log1p %exp3A : vector<1024x128xf32>
    %add3A_16 = arith.addf %max3A_10, %log1p3A : vector<1024x128xf32>
    %select_n3A = arith.select %ne3A, %add3A_13, %add3A_16 : vector<1024x128xi1>, vector<1024x128xf32>
    %log3A = arith.constant 2.000000e+00 : f32
    %log3A_17 = math.log %log3A : f32
    %sub3A_18 = vector.broadcast %log3A_17 : f32 to vector<1024x128xf32>
    %sub3A_19 = arith.subf %select_n3A, %sub3A_18 : vector<1024x128xf32>
    %get3A_20 = arith.constant 0 : index
    %get3A_21 = arith.constant 0 : index
    %get3A_22 = vector.load %arg1[%get3A_20, %get3A_21] : memref<1024x128xf32, #tpu.memory_space<vmem>>, vector<1024x128xf32>
    %get3A_23 = arith.constant 0 : index
    %get3A_24 = arith.constant 0 : index
    %get3A_25 = vector.load %arg5[%get3A_23, %get3A_24] : memref<128x128xf32, #tpu.memory_space<vmem>>, vector<128x128xf32>
    %dot_general3A_26 = arith.constant dense<0.000000e+00> : vector<1024x128xf32>
    %dot_general3A_27 = tpu.matmul %sub3A_19, %get3A_25, %dot_general3A_26 {dimension_numbers = #tpu.dot_dimension_numbers<[1], [0], [0], [1], [0, 0, 1, 1], [], []>, transpose_lhs_hint = false} : vector<1024x128xf32>, vector<128x128xf32>, vector<1024x128xf32> -> vector<1024x128xf32>
    %add3A_28 = arith.addf %get3A_22, %dot_general3A_27 : vector<1024x128xf32>
    %get3A_29 = arith.constant 0 : index
    %get3A_30 = arith.constant 0 : index
    %get3A_31 = vector.load %arg6[%get3A_29, %get3A_30] : memref<1x128xf32, #tpu.memory_space<vmem>>, vector<1x128xf32>
    %add3A_32 = vector.broadcast %get3A_31 : vector<1x128xf32> to vector<1024x128xf32>
    %add3A_33 = arith.addf %add3A_28, %add3A_32 : vector<1024x128xf32>
    %swap3A = arith.constant 0 : index
    %swap3A_34 = arith.constant 0 : index
    %swap3A_35 = vector.load %arg8[%swap3A, %swap3A_34] : memref<1024x128xf32, #tpu.memory_space<vmem>>, vector<1024x128xf32>
    tpu.vector_store %arg8[%swap3A, %swap3A_34], %add3A_33 {strides = array<i32>} : memref<1024x128xf32, #tpu.memory_space<vmem>>, vector<1024x128xf32>,
    %get3A_36 = arith.constant 0 : index
    %get3A_37 = arith.constant 0 : index
    %get3A_38 = vector.load %arg7[%get3A_36, %get3A_37] : memref<128x128xf32, #tpu.memory_space<vmem>>, vector<128x128xf32>
    %dot_general3A_39 = arith.constant dense<0.000000e+00> : vector<1024x128xf32>
    %dot_general3A_40 = tpu.matmul %add3A_33, %get3A_38, %dot_general3A_39 {dimension_numbers = #tpu.dot_dimension_numbers<[1], [0], [0], [1], [0, 0, 1, 1], [], []>, transpose_lhs_hint = false} : vector<1024x128xf32>, vector<128x128xf32>, vector<1024x128xf32> -> vector<1024x128xf32>
    %swap3A_41 = arith.constant 0 : index
    %swap3A_42 = arith.constant 0 : index
    %swap3A_43 = vector.load %arg9[%swap3A_41, %swap3A_42] : memref<1024x128xf32, #tpu.memory_space<vmem>>, vector<1024x128xf32>
    tpu.vector_store %arg9[%swap3A_41, %swap3A_42], %dot_general3A_40 {strides = array<i32>} : memref<1024x128xf32, #tpu.memory_space<vmem>>, vector<1024x128xf32>,
    return
  }
  func.func @transform_0(%arg0: i32) -> (i32, i32) {
    %c0_i32 = arith.constant 0 : i32
    %c0_i32_0 = arith.constant 0 : i32
    return %arg0, %c0_i32 : i32, i32
  }
  func.func @transform_1(%arg0: i32) -> (i32, i32) {
    %c0_i32 = arith.constant 0 : i32
    %c0_i32_0 = arith.constant 0 : i32
    return %arg0, %c0_i32 : i32, i32
  }
  func.func @transform_2(%arg0: i32) -> (i32, i32) {
    %c0_i32 = arith.constant 0 : i32
    %c0_i32_0 = arith.constant 0 : i32
    %c0_i32_1 = arith.constant 0 : i32
    return %c0_i32, %c0_i32_0 : i32, i32
  }
  func.func @transform_3(%arg0: i32) -> (i32, i32) {
    %c0_i32 = arith.constant 0 : i32
    %c0_i32_0 = arith.constant 0 : i32
    %c0_i32_1 = arith.constant 0 : i32
    return %c0_i32, %c0_i32_0 : i32, i32
  }
  func.func @transform_4(%arg0: i32) -> (i32, i32) {
    %c0_i32 = arith.constant 0 : i32
    %c0_i32_0 = arith.constant 0 : i32
    %c0_i32_1 = arith.constant 0 : i32
    return %c0_i32, %c0_i32_0 : i32, i32
  }
  func.func @transform_5(%arg0: i32) -> (i32, i32) {
    %c0_i32 = arith.constant 0 : i32
    %c0_i32_0 = arith.constant 0 : i32
    %c0_i32_1 = arith.constant 0 : i32
    return %c0_i32, %c0_i32_0 : i32, i32
  }
  func.func @transform_6(%arg0: i32) -> (i32, i32) {
    %c0_i32 = arith.constant 0 : i32
    %c0_i32_0 = arith.constant 0 : i32
    %c0_i32_1 = arith.constant 0 : i32
    return %c0_i32, %c0_i32_0 : i32, i32
  }
  func.func @transform_7(%arg0: i32) -> (i32, i32) {
    %c0_i32 = arith.constant 0 : i32
    %c0_i32_0 = arith.constant 0 : i32
    return %arg0, %c0_i32 : i32, i32
  }
  func.func @transform_8(%arg0: i32) -> (i32, i32) {
    %c0_i32 = arith.constant 0 : i32
    %c0_i32_0 = arith.constant 0 : i32
    return %arg0, %c0_i32 : i32, i32
  }
}

module attributes {stable_mosaic.version = 14 : i64} {
  func.func @_lin1_body(%arg0: i32, %arg1: memref<1024x128xf32, #tpu.memory_space<vmem>>, %arg2: memref<128x64xf32, #tpu.memory_space<vmem>>, %arg3: memref<1x64xf32, #tpu.memory_space<vmem>>, %arg4: memref<1024x64xf32, #tpu.memory_space<vmem>>) attributes {dimension_semantics = [#tpu.dimension_semantics<arbitrary>], iteration_bounds = array<i64: 10>, scalar_prefetch = 0 : i64, scratch_operands = 0 : i64, tpu.core_type = #tpu.core_type<tc>, window_params = [{transform_indices = @transform_0, window_bounds = array<i64: 1024, 128>}, {pipeline_mode = #tpu.pipeline_mode<synchronous>, transform_indices = @transform_1, window_bounds = array<i64: 128, 64>}, {pipeline_mode = #tpu.pipeline_mode<synchronous>, transform_indices = @transform_2, window_bounds = array<i64: 1, 64>}, {transform_indices = @transform_3, window_bounds = array<i64: 1024, 64>}]} {
    %get3A = arith.constant 0 : index
    %get3A_0 = arith.constant 0 : index
    %get3A_1 = vector.load %arg1[%get3A, %get3A_0] : memref<1024x128xf32, #tpu.memory_space<vmem>>, vector<1024x128xf32>
    %get3A_2 = arith.constant 0 : index
    %get3A_3 = arith.constant 0 : index
    %get3A_4 = vector.load %arg2[%get3A_2, %get3A_3] : memref<128x64xf32, #tpu.memory_space<vmem>>, vector<128x64xf32>
    %dot_general3A = arith.constant dense<0.000000e+00> : vector<1024x64xf32>
    %dot_general3A_5 = tpu.matmul %get3A_1, %get3A_4, %dot_general3A {dimension_numbers = #tpu.dot_dimension_numbers<[1], [0], [0], [1], [0, 0, 1, 1], [], []>, transpose_lhs_hint = false} : vector<1024x128xf32>, vector<128x64xf32>, vector<1024x64xf32> -> vector<1024x64xf32>
    %get3A_6 = arith.constant 0 : index
    %get3A_7 = arith.constant 0 : index
    %get3A_8 = vector.load %arg3[%get3A_6, %get3A_7] : memref<1x64xf32, #tpu.memory_space<vmem>>, vector<1x64xf32>
    %add3A = vector.broadcast %get3A_8 : vector<1x64xf32> to vector<1024x64xf32>
    %add3A_9 = arith.addf %dot_general3A_5, %add3A : vector<1024x64xf32>
    %swap3A = arith.constant 0 : index
    %swap3A_10 = arith.constant 0 : index
    %swap3A_11 = vector.load %arg4[%swap3A, %swap3A_10] : memref<1024x64xf32, #tpu.memory_space<vmem>>, vector<1024x64xf32>
    tpu.vector_store %arg4[%swap3A, %swap3A_10], %add3A_9 {strides = array<i32>} : memref<1024x64xf32, #tpu.memory_space<vmem>>, vector<1024x64xf32>,
    return
  }
  func.func @transform_0(%arg0: i32) -> (i32, i32) {
    %c0_i32 = arith.constant 0 : i32
    %c0_i32_0 = arith.constant 0 : i32
    return %arg0, %c0_i32 : i32, i32
  }
  func.func @transform_1(%arg0: i32) -> (i32, i32) {
    %c0_i32 = arith.constant 0 : i32
    %c0_i32_0 = arith.constant 0 : i32
    %c0_i32_1 = arith.constant 0 : i32
    return %c0_i32, %c0_i32_0 : i32, i32
  }
  func.func @transform_2(%arg0: i32) -> (i32, i32) {
    %c0_i32 = arith.constant 0 : i32
    %c0_i32_0 = arith.constant 0 : i32
    %c0_i32_1 = arith.constant 0 : i32
    return %c0_i32, %c0_i32_0 : i32, i32
  }
  func.func @transform_3(%arg0: i32) -> (i32, i32) {
    %c0_i32 = arith.constant 0 : i32
    %c0_i32_0 = arith.constant 0 : i32
    return %arg0, %c0_i32 : i32, i32
  }
}

module attributes {stable_mosaic.version = 14 : i64} {
  func.func @_readout_body(%arg0: i32, %arg1: memref<512x128xf32, #tpu.memory_space<vmem>>, %arg2: memref<128x128xf32, #tpu.memory_space<vmem>>, %arg3: memref<1x128xf32, #tpu.memory_space<vmem>>, %arg4: memref<128x1xf32, #tpu.memory_space<vmem>>, %arg5: memref<1x1xf32, #tpu.memory_space<vmem>>, %arg6: memref<512x1xf32, #tpu.memory_space<vmem>>) attributes {dimension_semantics = [#tpu.dimension_semantics<arbitrary>], iteration_bounds = array<i64: 10>, scalar_prefetch = 0 : i64, scratch_operands = 0 : i64, tpu.core_type = #tpu.core_type<tc>, window_params = [{transform_indices = @transform_0, window_bounds = array<i64: 512, 128>}, {pipeline_mode = #tpu.pipeline_mode<synchronous>, transform_indices = @transform_1, window_bounds = array<i64: 128, 128>}, {pipeline_mode = #tpu.pipeline_mode<synchronous>, transform_indices = @transform_2, window_bounds = array<i64: 1, 128>}, {pipeline_mode = #tpu.pipeline_mode<synchronous>, transform_indices = @transform_3, window_bounds = array<i64: 128, 1>}, {pipeline_mode = #tpu.pipeline_mode<synchronous>, transform_indices = @transform_4, window_bounds = array<i64: 1, 1>}, {transform_indices = @transform_5, window_bounds = array<i64: 512, 1>}]} {
    %get3A = arith.constant 0 : index
    %get3A_0 = arith.constant 0 : index
    %get3A_1 = vector.load %arg1[%get3A, %get3A_0] : memref<512x128xf32, #tpu.memory_space<vmem>>, vector<512x128xf32>
    %get3A_2 = arith.constant 0 : index
    %get3A_3 = arith.constant 0 : index
    %get3A_4 = vector.load %arg2[%get3A_2, %get3A_3] : memref<128x128xf32, #tpu.memory_space<vmem>>, vector<128x128xf32>
    %dot_general3A = arith.constant dense<0.000000e+00> : vector<512x128xf32>
    %dot_general3A_5 = tpu.matmul %get3A_1, %get3A_4, %dot_general3A {dimension_numbers = #tpu.dot_dimension_numbers<[1], [0], [0], [1], [0, 0, 1, 1], [], []>, transpose_lhs_hint = false} : vector<512x128xf32>, vector<128x128xf32>, vector<512x128xf32> -> vector<512x128xf32>
    %get3A_6 = arith.constant 0 : index
    %get3A_7 = arith.constant 0 : index
    %get3A_8 = vector.load %arg3[%get3A_6, %get3A_7] : memref<1x128xf32, #tpu.memory_space<vmem>>, vector<1x128xf32>
    %add3A = vector.broadcast %get3A_8 : vector<1x128xf32> to vector<512x128xf32>
    %add3A_9 = arith.addf %dot_general3A_5, %add3A : vector<512x128xf32>
    %max3A = arith.constant 0.000000e+00 : f32
    %max3A_10 = vector.broadcast %max3A : f32 to vector<512x128xf32>
    %max3A_11 = arith.maximumf %add3A_9, %max3A_10 : vector<512x128xf32>
    %get3A_12 = arith.constant 0 : index
    %get3A_13 = arith.constant 0 : index
    %get3A_14 = vector.load %arg4[%get3A_12, %get3A_13] : memref<128x1xf32, #tpu.memory_space<vmem>>, vector<128x1xf32>
    %dot_general3A_15 = arith.constant dense<0.000000e+00> : vector<512x1xf32>
    %dot_general3A_16 = tpu.matmul %max3A_11, %get3A_14, %dot_general3A_15 {dimension_numbers = #tpu.dot_dimension_numbers<[1], [0], [0], [1], [0, 0, 1, 1], [], []>, transpose_lhs_hint = false} : vector<512x128xf32>, vector<128x1xf32>, vector<512x1xf32> -> vector<512x1xf32>
    %get3A_17 = arith.constant 0 : index
    %get3A_18 = arith.constant 0 : index
    %get3A_19 = vector.load %arg5[%get3A_17, %get3A_18] : memref<1x1xf32, #tpu.memory_space<vmem>>, vector<1x1xf32>
    %add3A_20 = vector.broadcast %get3A_19 : vector<1x1xf32> to vector<512x1xf32>
    %add3A_21 = arith.addf %dot_general3A_16, %add3A_20 : vector<512x1xf32>
    %swap3A = arith.constant 0 : index
    %swap3A_22 = arith.constant 0 : index
    %swap3A_23 = vector.load %arg6[%swap3A, %swap3A_22] : memref<512x1xf32, #tpu.memory_space<vmem>>, vector<512x1xf32>
    tpu.vector_store %arg6[%swap3A, %swap3A_22], %add3A_21 {strides = array<i32>} : memref<512x1xf32, #tpu.memory_space<vmem>>, vector<512x1xf32>,
    return
  }
  func.func @transform_0(%arg0: i32) -> (i32, i32) {
    %c0_i32 = arith.constant 0 : i32
    %c0_i32_0 = arith.constant 0 : i32
    return %arg0, %c0_i32 : i32, i32
  }
  func.func @transform_1(%arg0: i32) -> (i32, i32) {
    %c0_i32 = arith.constant 0 : i32
    %c0_i32_0 = arith.constant 0 : i32
    %c0_i32_1 = arith.constant 0 : i32
    return %c0_i32, %c0_i32_0 : i32, i32
  }
  func.func @transform_2(%arg0: i32) -> (i32, i32) {
    %c0_i32 = arith.constant 0 : i32
    %c0_i32_0 = arith.constant 0 : i32
    %c0_i32_1 = arith.constant 0 : i32
    return %c0_i32, %c0_i32_0 : i32, i32
  }
  func.func @transform_3(%arg0: i32) -> (i32, i32) {
    %c0_i32 = arith.constant 0 : i32
    %c0_i32_0 = arith.constant 0 : i32
    %c0_i32_1 = arith.constant 0 : i32
    return %c0_i32, %c0_i32_0 : i32, i32
  }
  func.func @transform_4(%arg0: i32) -> (i32, i32) {
    %c0_i32 = arith.constant 0 : i32
    %c0_i32_0 = arith.constant 0 : i32
    %c0_i32_1 = arith.constant 0 : i32
    return %c0_i32, %c0_i32_0 : i32, i32
  }
  func.func @transform_5(%arg0: i32) -> (i32, i32) {
    %c0_i32 = arith.constant 0 : i32
    %c0_i32_0 = arith.constant 0 : i32
    return %arg0, %c0_i32 : i32, i32
  }
}

</mosaic_0001>

<sc_bundles>
// kernel: gather_offload_async_start
scs
__scs_entry_jumppad:
0x0: {  	(pc) =	sbr.rel $0x88, $3  }
0x1: {  	(tag) =	ssettag $0x0;
	lr =	simm.s32 $0x1  }
0x2: {  	[smem:$0x3F8D] =	sst lr;
	_ =	strace $0xD0000000  }
0x3: {  	_ = 	snop  }
0x4: {  	_ = 	snop  }
0x5: {  	_ = 	snop  }
0x6: {  	_ = 	snop  }
0x7: {  	_ = 	snop  }
__scs_overlays_trampoline_lowered:
0x8: {  	[smem:$0x3F9C] =	sst s0  }
0x9: {  	[smem:$0x3F9D] =	sst s1  }
0xa: {  	[smem:$0x3F9E] =	sst s2  }
0xb: {  	[smem:$0x3F9F] =	sst s3  }
0xc: {  	[smem:$0x3FA0] =	sst s4  }
0xd: {  	[smem:$0x3FA1] =	sst s5  }
0xe: {  	[smem:$0x3FA2] =	sst s6  }
0xf: {  	[smem:$0x3FA3] =	sst s7  }
0x10: {  	[smem:$0x3FA4] =	sst s8  }
0x11: {  	[smem:$0x3FA5] =	sst s9;
	s0 =	simm.s32 @!p0 $0x0  }
0x12: {  	s1 =	sld [smem:$0x3F8B];
	s0 =	simm.s32 @p0 $0x1  }
0x13: {  	[smem:$0x3FA6] =	sst s0;
	s0 =	simm.s32 @!p1 $0x0  }
0x14: {  	s2 =	sld [smem:$0x3F8A];
	s0 =	simm.s32 @p1 $0x1  }
0x15: {  	[smem:$0x3FA7] =	sst s0;
	s0 =	simm.s32 @!p2 $0x0  }
0x16: {  	s3 =	sld [smem:$0x3FDB];
	s0 =	simm.s32 @p2 $0x1  }
0x17: {  	s4 =	simm.s32 $0x1BF5;
	[smem:$0x3FA9] =	sst s0  }
0x18: {  	s0 =	sld [smem:$0x3F8C];
	_ =	swait.ge [sflag:s4], $0x0  }
0x19: {  	s7 =	sld [smem:$0x3F8D]  }
0x1a: {  	s8 =	sadd.s32 $0xFFFFE003, lr  }
0x1b: {  	s9 =	sadd.s32 $0xFFFFFEF7, lr;
	s5 =	simm.s32 $0xFFFFFFFF;
	p2 =	slt.u32 s8, $0xFFFFF086  }
0x1c: {  	p1 =	slt.u32 s9, $0xF7A;
	s5 =	simm.s32 @!p2 $0x0  }
0x1d: {  	s5 =	simm.s32 @p1 $0x1;
	p0 =	seq.s32 s7, s2  }
0x1e: {  	s7 =	smul.u32 @!p0 $0xF7A, s2;
	p2 =	seq.s32 @!p0 s5, $0x0  }
0x1f: {  	s9 =	smul.u32 $0xF7A, s1;
	s8 =	simm.s32 @!p0 $0x1BF5;
	p2 =	por !p2, p0  }
0x20: {  	[sflag:s8] =	ssyncset.s32 @!p0 $0xFFFFF086;
	s6 =	sadd.s32 @!p0 s3, s7;
	s7 =	simm.s32 @!p0 $0x108  }
0x21: {  	s3 =	sadd.s32 s3, s9;
	s6 =	sadd.s32 @!p0 $0x88, s6;
	s7 =	simm.s32 @p2 $0x1082  }
0x22: {  	[simem:s7], [sflag:s8] =	dma.local @!p0 [hbm:s6], $0xF7A  }
0x23: {  	s9 =	sor.u32 $0xD0000000, s2;
	s6 =	simm.s32 $0x108;
	_ =	swait.ge @!p0 [sflag:s8], $0x0  }
0x24: {  	s3 =	sadd.s32 $0x88, s3;
	s6 =	simm.s32 @!p1 $0x1082;
	[sflag:s4] =	ssyncset.s32 $0xFFFFF086  }
0x25: {  	[simem:s6], [sflag:s4] =	dma.local [hbm:s3], $0xF7A  }
0x26: {  	[smem:$0x3F8D] =	sst s1;
	(tag) =	ssettag s2;
	_ =	strace s9  }
0x27: {  	s1 =	sld [smem:$0x3F9D]  }
0x28: {  	s2 =	sld [smem:$0x3F9E]  }
0x29: {  	s4 =	sld [smem:$0x3FA0]  }
0x2a: {  	p0 =	seq.s32 s5, $0x0;
	s5 =	sld [smem:$0x3FA1]  }
0x2b: {  	s6 =	sld [smem:$0x3FA2]  }
0x2c: {  	s7 =	sld [smem:$0x3FA3]  }
0x2d: {  	s3 =	simm.s32 $0x108;
	s8 =	sld [smem:$0x3FA4]  }
0x2e: {  	s3 =	simm.s32 @!p0 $0x1082;
	s9 =	sld [smem:$0x3FA5]  }
0x2f: {  	lr =	sadd.s32 s0, s3;
	s0 =	sld [smem:$0x3F9C]  }
0x30: {  	s3 =	sld [smem:$0x3F9F]  }
0x31: {  	[smem:$0x3FA8] =	sst s10  }
0x32: {  	s10 =	sld [smem:$0x3FA6];
	_ =	sdelay $0x3  }
0x33: {  	p0 =	seq.s32 s10, $0x1;
	s10 =	sld [smem:$0x3FA8];
	_ =	sdelay $0x3  }
0x34: {  	[smem:$0x3FA8] =	sst s10  }
0x35: {  	s10 =	sld [smem:$0x3FA7];
	_ =	sdelay $0x3  }
0x36: {  	p1 =	seq.s32 s10, $0x1;
	s10 =	sld [smem:$0x3FA8];
	_ =	sdelay $0x3  }
0x37: {  	[smem:$0x3FA8] =	sst s10  }
0x38: {  	s10 =	sld [smem:$0x3FA9]  }
0x39: {  	_ = 	snop;
	(pc) =	sbr.ind lr, $3  }
0x3a: {  	_ = 	snop  }
0x3b: {  	_ = 	snop  }
0x3c: {  	p2 =	seq.s32 s10, $0x1;
	s10 =	sld [smem:$0x3FA8]  }
0x3d: {  	_ =	shalt  }
0x3e: {  	_ =	shalt  }
0x3f: {  	_ =	shalt  }
0x40: {  	_ =	shalt  }
0x41: {  	_ =	shalt  }
0x42: {  	_ =	shalt  }
0x43: {  	_ =	shalt  }
0x44: {  	_ =	shalt  }
0x45: {  	_ =	shalt  }
0x46: {  	_ =	shalt  }
0x47: {  	_ =	shalt  }
0x48: {  	_ =	shalt  }
0x49: {  	_ =	shalt  }
0x4a: {  	_ =	shalt  }
0x4b: {  	_ =	shalt  }
0x4c: {  	_ =	shalt  }
0x4d: {  	_ =	shalt  }
0x4e: {  	_ =	shalt  }
0x4f: {  	_ =	shalt  }
0x50: {  	_ =	shalt  }
0x51: {  	_ =	shalt  }
0x52: {  	_ =	shalt  }
0x53: {  	_ =	shalt  }
0x54: {  	_ =	shalt  }
0x55: {  	_ =	shalt  }
0x56: {  	_ =	shalt  }
0x57: {  	_ =	shalt  }
0x58: {  	_ =	shalt  }
0x59: {  	_ =	shalt  }
0x5a: {  	_ =	shalt  }
0x5b: {  	_ =	shalt  }
0x5c: {  	_ =	shalt  }
0x5d: {  	_ =	shalt  }
0x5e: {  	_ =	shalt  }
0x5f: {  	_ =	shalt  }
0x60: {  	_ =	shalt  }
0x61: {  	_ =	shalt  }
0x62: {  	_ =	shalt  }
0x63: {  	_ =	shalt  }
0x64: {  	_ =	shalt  }
0x65: {  	_ =	shalt  }
0x66: {  	_ =	shalt  }
0x67: {  	_ =	shalt  }
0x68: {  	_ =	shalt  }
0x69: {  	_ =	shalt  }
0x6a: {  	_ =	shalt  }
0x6b: {  	_ =	shalt  }
0x6c: {  	_ =	shalt  }
0x6d: {  	_ =	shalt  }
0x6e: {  	_ =	shalt  }
0x6f: {  	_ =	shalt  }
0x70: {  	_ =	shalt  }
0x71: {  	_ =	shalt  }
0x72: {  	_ =	shalt  }
0x73: {  	_ =	shalt  }
0x74: {  	_ =	shalt  }
0x75: {  	_ =	shalt  }
0x76: {  	_ =	shalt  }
0x77: {  	_ =	shalt  }
0x78: {  	_ =	shalt  }
0x79: {  	_ =	shalt  }
0x7a: {  	_ =	shalt  }
0x7b: {  	_ =	shalt  }
0x7c: {  	_ =	shalt  }
0x7d: {  	_ =	shalt  }
0x7e: {  	_ =	shalt  }
0x7f: {  	_ =	shalt  }
0x80: {  	_ =	shalt  }
0x81: {  	_ =	shalt  }
0x82: {  	_ =	shalt  }
0x83: {  	_ =	shalt  }
0x84: {  	_ =	shalt  }
0x85: {  	_ =	shalt  }
0x86: {  	_ =	shalt  }
0x87: {  	_ =	shalt  }
.Lfunc_end0:
.L_simem_size_0:
called_computation_lowered:
.L_overlay_start_0:
0x88: {  	s0 =	sld [smem:$0x3FD9]  }
0x89: {  	s1 =	sld [smem:$0x3FFE];
	_ =	sdelay $0x3  }
0x8a: {  	s0 =	sadd.s32 s1, s0  }
0x8b: {  	[smem:$0x3FB4] =	sst s0  }
0x8c: {  	_ = 	snop  }
0x8d: {  	(tm) =	ssettm $0x1  }
0x8e: {  	s15 =	sld [smem:$0x3FFB];
	_ =	sdelay $0x3  }
0x8f: {  	_ =	strace s15  }
0x90: {  	s0 =	sld [smem:$0x3FFC];
	_ =	sdelay $0x3  }
0x91: {  	_ =	strace s0  }
0x92: {  	s0 =	sld [smem:$0x3FFD];
	_ =	sdelay $0x3  }
0x93: {  	_ =	strace s0  }
0x94: {  	_ =	strace $0x8FFFFFFF  }
0x95: {  	s16 =	sld [smem:$0x3FDB];
	_ =	sdelay $0x1  }
0x96: {  	s17 =	simm.s32 $_scs_section_size  }
0x97: {  	s2 =	simm.s32 $_size__tile_overlayer_lowered;
	s3 =	simm.s32 $_tile_overlayer_lowered  }
0x98: {  	s20 =	simm.s32 $0x1BFF;
	s19 =	sshll.u32 s3, $0x1;
	s0 =	sadd.s32 s17, s16  }
0x99: {  	s4 =	simm.s32 $0x0;
	s18 =	sshll.u32 s2, $0x1;
	s2 =	sadd.s32 s19, s0  }
0x9a: {  	[timem:s4], [sflag:s20] =	dma.local [hbm:s2], s18  }
0x9b: {  	_ =	swait.ge [sflag:s20], s18  }
0x9c: {  	s1 =	ssub.s32 $0x0, s18;
	[sflag:s20] =	ssyncset.done $0x0  }
0x9d: {  	[sflag:s20] =	ssyncadd.s32 s1;
	_ =	sdelay $0x1  }
0x9e: {  	s21 =	simm.s32 $0x1B8B  }
0x9f: {  	_ =	swait.ge [sflag:s21], $0x1  }
0xa0: {  	[sflag:s21] =	ssyncset.done $0x0  }
0xa1: {  	s23 =	simm.s32 $0x1B8E;
	s22 =	sld [smem:$0x3FFE];
	[sflag:s21] =	ssyncadd.s32 $0xFFFFFFFF  }
0xa2: {  	s24 =	simm.s32 $execute0_lowered;
	[smem:$0x3FD2] =	sst s23  }
0xa3: {  	s2 =	sshll.u32 s24, $0x1;
	_ =	strace $0x80000046;
	[dreg:$0x1] =	wrdreg $0xFFFFFFFF  }
0xa4: {  	s25 =	simm.s32 $_size_execute0_lowered;
	s0 =	sadd.s32 s0, s2;
	[dreg:$0x0] =	wrdreg $0x0  }
0xa5: {  	s2 =	sshll.u32 s25, $0x1;
	[dreg:$0x2] =	wrdreg s0  }
0xa6: {  	[dreg:$0x3] =	wrdreg s2  }
0xa7: {  	[dreg:$0x4] =	wrdreg $0xC0  }
0xa8: {  	_ =	task [dreg:s4], $0x5FFFF  }
0xa9: {  	[dreg:$0x1] =	wrdreg $0xFFFFFFFF  }
0xaa: {  	[dreg:$0x0] =	wrdreg $0x60  }
0xab: {  	[dreg:$0x2] =	wrdreg s22  }
0xac: {  	[dreg:$0x3] =	wrdreg $0x9  }
0xad: {  	_ =	task.clear_ibuf [dreg:s4], $0x4FFFF;
	_ =	strace $0x90000046  }
0xae: {  	s26 =	simm.s32 $0x9;
	_ =	strace $0x80000048  }
0xaf: {  	_ =	swait.ge [sflag:s26], $0x1  }
0xb0: {  	[sflag:s26] =	ssyncadd.s32 $0xFFFFFFFF  }
0xb1: {  	_ =	strace $0x90000048  }
0xb2: {  	_ =	sfence  }
0xb3: {  	s28 =	sld [smem:$0x0];
	_ =	sdelay $0x1  }
0xb4: {  	s29 =	srdreg.scid  }
0xb5: {  	s30 =	sshll.u32 s29, $0xD;
	s31 =	sshrl.u32 s29, $0x2  }
0xb6: {  	s1 =	sand.u32 $0x1, s29;
	s2 =	sand.u32 $0x4000, s30;
	s0 =	sadd.s32 s31, s28  }
0xb7: {  	s1 =	sor.u32 s2, s1;
	s0 =	sshll.u32 s0, $0x11  }
0xb8: {  	s0 =	sor.u32 s0, s1  }
0xb9: {  	s0 =	sadd.s32 $0x8F2B, s0  }
0xba: {  	[sflag:s0] =	ssyncadd.remote.s32 $0x1  }
0xbb: {  	_ =	sfence.sel $0xFFFF  }
0xbc: {  	[dreg:$0x0] =	wrdreg $0xFFFFFFFF;
	(pc) =	sbr.abs _section_cstart, $3  }
0xbd: {  	[dreg:$0x1] =	wrdreg $0xFFFFFFFF  }
0xbe: {  	_ =	task.clear_ibuf [dreg:s4], $0x2FFFF;
	_ =	strace $0x9FFFFFFF  }
0xbf: {  	(tm) =	ssettm $0x7FFFFFFF  }
tec
execute0_lowered:
.L_overlay_start_1:
0x0: {  	(tag) =	ssettag $0x1  }
0x1: {  	s0 =	stileid.u32  }
0x2: {  	s1 =	smin.u32 s0, $0x9  }
0x3: {  	s1 =	sadd.s32 s0, s1  }
0x4: {  	s2 =	simm.s32 $0x320;
	p0 =	slt.u32 s0, $0x9;
	s1 =	smul.u32 $0x190, s1  }
0x5: {  	s2 =	simm.s32 @!p0 $0x190  }
0x6: {  	s2 =	sadd.s32 s2, s1  }
0x7: {  	s3 =	smin.u32 s2, $0x2710  }
0x8: {  	s7 =	ssub.s32 s3, s1  }
0x9: {  	p0 =	sgt.s32 s7, $0x0  }
0xa: {  	s7 =	simm.s32 @!p0 $0x0  }
0xb: {  	s31 =	sand.u32 $0xFFF0, s7  }
0xc: {  	s2 =	sshrl.u32 s31, $0x4  }
0xd: {  	s2 =	smul.u32 $0xA3E, s2  }
0xe: {  	s9 =	rddreg [dreg:$0x0];
	s6 =	simm.s32 $0x1;
	s11 =	simm.s32 $0x3  }
0xf: {  	s13 =	simm.s32 $0x0;
	s12 =	simm.s32 $0x0;
	s8 =	sshrl.u32 s2, $0x10  }
0x10: {  	s4 =	sadd.s32 $0x7600, s9;
	s5 =	sadd.s32 $0x7000, s9;
	s10 =	smul.u32 $0x190, s8  }
.Ltmp0:
0x11: {  	s9 =	sadd.s32 $0x2E800, s9;
	s2 =	rddreg [dreg:$0x1];
	(pc) =	sbr.rel .LBB2_1-.Ltmp0, $4  }
0x12: {  	_ =	strace $0x80000047;
	p0 =	sne.s32 s7, s10;
	s10 =	simm.s32 $0x1  }
0x13: {  	[sflag:s6] =	ssyncpa.u1 $0x0;
	s7 =	simm.s32 $0x2;
	s10 =	simm.s32 @!p0 $0x0  }
0x14: {  	[sflag:s7] =	ssyncpa.u1 $0x0;
	p0 =	por $0x0, $0x0;
	s8 =	sadd.s32 s8, s10  }
0x15: {  	vm0 =	vmmov $0xff;
	vm1 =	vcmask $0x3F20;
	[sflag:s11] =	ssyncpa.u1 $0x0;
	s11 =	smov.u32 s1;
	s10 =	sadd.s32 $0x1, s8  }
.LBB2_6:
0x16: {  	[hbm:s17] =	stream.linear.scatter [tilespmem:s14], [sflag:$0x3], $0x400, $0x38;
	[tilespmem:$0x19320] =	vst v63  }
.LBB2_7:
0x17: {  	s13 =	sadd.s32 $0x190, s11  }
0x18: {  	s15 =	smov.u32 s1;
	p2 =	slt.s32 s13, s3  }
0x19: {  	s15 =	smov.u32 @p2 s13;
	p2 =	sne.s32 s12, s10  }
.Ltmp1:
0x1a: {  	p1 =	slt.u32 s12, $0x2;
	(pc) =	sbr.rel @!p2 .LBB2_8-.Ltmp1, $4  }
0x1b: {  	s14 =	simm.s32 @!p1 $0x3  }
0x1c: {  	s16 =	sadd.s32 $0x1, s12;
	_ =	swait.ge @!p1 [sflag:s14], $0xC800  }
0x1d: {  	p0 =	por !p0, !p0;
	s13 =	smov.u32 s11;
	[sflag:s14] =	ssyncset.done @!p1 $0x0  }
0x1e: {  	s12 =	smov.u32 s16;
	s11 =	smov.u32 s15;
	[sflag:s14] =	ssyncadd.s32 @!p1 $0xFFFF3800  }
.LBB2_1:
0x1f: {  	p1 =	sge.u32 s12, s8  }
0x20: {  	s14 =	sxor.u32 @!p1 $0xFFFFFFFF, s12  }
0x21: {  	s14 =	sand.u32 @!p1 $0x1, s14  }
0x22: {  	s14 =	smul.u32 @!p1 $0x640, s14  }
0x23: {  	s31 =	sadd.s32 $0xFFFFFFFF, s12;
	s15 =	sshrl.u32 @!p1 s11, $0x3  }
0x24: {  	s16 =	sand.u32 @!p1 $0x7, s11;
	s15 =	sadd.s32 @!p1 s5, s15;
	s14 =	sshrl.u32 @!p1 s14, $0x2  }
0x25: {  	[tilespmem:s14], [sflag:$0x2] =	stream.linear.gather @!p1 [hbm4b:s15+s16], $0x190, $0x38;
	[tilespmem:$0x19320] =	vst v63  }
0x26: {  	p1 =	sge.u32 s31, s8  }
.Ltmp2:
0x27: {  	_ = 	snop;
	(pc) =	sbr.rel @p1 .LBB2_7-.Ltmp2, $1  }
0x28: {  	_ =	sdelay $0x3  }
0x29: {  	s14 =	simm.s32 $0x1  }
0x2a: {  	s14 =	simm.s32 @!p0 $0x0  }
0x2b: {  	s15 =	smul.u32 $0x640, s14  }
0x2c: {  	_ =	swait.ge [sflag:s7], $0x190  }
0x2d: {  	[sflag:s7] =	ssyncset.done $0x0;
	s16 =	sshrl.u32 s15, $0x2  }
0x2e: {  	[sflag:s7] =	ssyncadd.s32 $0xFFFFFE70;
	s15 =	sadd.s32 $0x0, s16  }
0x2f: {  	v0 =	vld.msk [tilespmem:s15+$0x0 ss:$0x1], $0xffff;
	_ =	sdelay $0x4  }
0x30: {  	vm2 =	vgt.s32 v0, $0x0  }
0x31: {  	v0 =	vnsel vm2, $0x0, v0  }
0x32: {  	v0 =	vmin.u32 v0, $0x270F  }
0x33: {  	v0 =	vshll.u32 v0, $0x4  }
0x34: {  	s14 =	smul.u32 $0x32000, s14;
	_ =	sdelay $0x1  }
0x35: {  	s14 =	sshrl.u32 s14, $0x2  }
0x36: {  	s14 =	sor.u32 $0x320, s14  }
0x37: {  	[tilespmem:s14], [sflag:$0x1] =	stream.indirect_vreg.gather [hbm:s4], $0x80, v0, vm0, $0x38;
	[tilespmem:$0x19320] =	vst v63  }
0x38: {  	s17 =	sadd.s32 $0x10, s16;
	s15 =	sadd.s32 $0x400, s14  }
0x39: {  	[tilespmem:s15], [sflag:$0x1] =	stream.indirect_vreg.gather [hbm:s4], $0x80, v0, vm1, $0x38;
	[tilespmem:$0x19320] =	vst v63  }
0x3a: {  	s18 =	simm.s32 $0x80;
	v0 =	vld.msk [tilespmem:s17+$0x0 ss:$0x1], $0xffff;
	s17 =	smov.u32 s14  }
.LBB2_3:
0x3b: {  	p1 =	sne.s32 s18, $0x600;
	_ =	sdelay $0x4  }
0x3c: {  	vm2 =	vgt.s32 v0, $0x0  }
0x3d: {  	v0 =	vnsel vm2, $0x0, v0  }
0x3e: {  	v0 =	vmin.u32 v0, $0x270F  }
0x3f: {  	v0 =	vshll.u32 v0, $0x4;
	_ =	sdelay $0x3  }
.Ltmp3:
0x40: {  	s19 =	sshra.s32 s18, $0x2;
	s17 =	sadd.s32 $0x800, s17;
	(pc) =	sbr.rel @p1 .LBB2_3-.Ltmp3, $4  }
0x41: {  	[tilespmem:s17], [sflag:$0x1] =	stream.indirect_vreg.gather [hbm:s4], $0x80, v0, vm0, $0x38;
	[tilespmem:$0x19320] =	vst v63  }
0x42: {  	s19 =	sadd.s32 s19, s16;
	s20 =	sadd.s32 $0x400, s17  }
0x43: {  	[tilespmem:s20], [sflag:$0x1] =	stream.indirect_vreg.gather [hbm:s4], $0x80, v0, vm1, $0x38;
	[tilespmem:$0x19320] =	vst v63  }
0x44: {  	s18 =	sadd.s32 $0x40, s18;
	v0 =	vld.msk [tilespmem:s19+$0x0 ss:$0x1], $0xffff  }
0x45: {  	_ =	sdelay $0x3  }
0x46: {  	vm2 =	vgt.s32 v0, $0x0  }
0x47: {  	v0 =	vnsel vm2, $0x0, v0  }
0x48: {  	v0 =	vmin.u32 v0, $0x270F  }
0x49: {  	v0 =	vshll.u32 v0, $0x4;
	_ =	sdelay $0x3  }
0x4a: {  	s16 =	sadd.s32 $0x800, s17  }
0x4b: {  	[tilespmem:s16], [sflag:$0x1] =	stream.indirect_vreg.gather [hbm:s4], $0x80, v0, vm0, $0x38;
	[tilespmem:$0x19320] =	vst v63  }
0x4c: {  	s16 =	sadd.s32 $0x400, s16  }
0x4d: {  	[tilespmem:s16], [sflag:$0x1] =	stream.indirect_vreg.gather [hbm:s4], $0x80, v0, vm1, $0x38;
	[tilespmem:$0x19320] =	vst v63  }
0x4e: {  	s13 =	sshll.u32 s13, $0x4;
	_ =	swait.ge [sflag:s6], $0xC800  }
0x4f: {  	s13 =	sadd.s32 s13, s9;
	[sflag:s6] =	ssyncset.done $0x0  }
0x50: {  	s17 =	sadd.s32 $0x0, s13;
	s16 =	simm.s32 $0x80;
	[sflag:s6] =	ssyncadd.s32 $0xFFFF3800  }
.LBB2_5:
0x51: {  	[hbm:s17] =	stream.linear.scatter [tilespmem:s14], [sflag:$0x3], $0x400, $0x38;
	[tilespmem:$0x19320] =	vst v63  }
0x52: {  	s17 =	smov.u32 s16;
	s14 =	smov.u32 s15;
	p1 =	sne.s32 s16, $0x1880  }
.Ltmp4:
0x53: {  	s16 =	sadd.s32 $0x80, s16;
	(pc) =	sbr.rel @p1 .LBB2_5-.Ltmp4, $2  }
0x54: {  	_ =	sdelay $0x2  }
0x55: {  	s15 =	sadd.s32 $0x400, s15;
	s17 =	sadd.s32 s17, s13  }
.Ltmp5:
0x56: {  	_ = 	snop;
	(pc) =	sbr.rel .LBB2_6-.Ltmp5, $1  }
0x57: {  	_ =	sdelay $0x3  }
.LBB2_8:
0x58: {  	_ =	sfence.sel $0x180000  }
0x59: {  	s1 =	simm.s32 $0x2;
	[bflag:$0x0] =	sbarrier.arrive $0xFFFF  }
0x5a: {  	s30 =	simm.s32 $0x3;
	[sflag:s1] =	ssyncpa.u1 $0x1  }
0x5b: {  	s31 =	simm.s32 $0x1;
	[sflag:s30] =	ssyncpa.u1 $0x1  }
0x5c: {  	[sflag:s31] =	ssyncpa.u1 $0x1  }
0x5d: {  	p0 =	sne.s32 s0, $0x0;
	_ =	strace $0x90000047  }
0x5e: {  	s0 =	sadd.s32 @!p0 $0x100000, s2;
	[bflag:$0x2] =	sbarrier.arrive $0xFFFF  }
0x5f: {  	[sflag:s0] =	ssyncadd.tile.s32 @!p0 $0x1;
	_ =	shalt  }
.Lfunc_end2:
_tile_overlayer_lowered:
.L_overlay_start_2:
0x60: {  	(tag) =	ssettag $0x2  }
0x61: {  	s0 =	rddreg [dreg:$0x0];
	s2 =	stileid.u32  }
0x62: {  	s1 =	rddreg [dreg:$0x1];
	p0 =	sne.s32 s2, $0x0  }
0x63: {  	s3 =	rddreg [dreg:$0x2];
	[bflag:$0x3] =	sbarrier.arrive $0xFFFF;
	s2 =	simm.s32 @!p0 $0x1C01  }
0x64: {  	[timem:s3], [sflag:s2] =	dma.local @!p0 [hbm:s0], s1  }
0x65: {  	s0 =	simm.s32 @!p0 $0x1  }
0x66: {  	_ =	swait.ge @!p0 [sflag:s0], s1  }
0x67: {  	s1 =	ssub.s32 @!p0 $0x0, s1;
	[sflag:s0] =	ssyncset.done @!p0 $0x0  }
0x68: {  	[sflag:s0] =	ssyncadd.s32 @!p0 s1  }
0x69: {  	[bflag:$0x3] =	sbarrier.arrive $0xFFFF  }
0x6a: {  	_ =	shalt  }

// kernel: kernel.18.cloned.1.call-start
scs
__scs_entry_jumppad:
0x0: {  	(pc) =	sbr.rel $0x88, $3  }
0x1: {  	(tag) =	ssettag $0x0;
	lr =	simm.s32 $0x1  }
0x2: {  	[smem:$0x3F8D] =	sst lr;
	_ =	strace $0xD0000000  }
0x3: {  	_ = 	snop  }
0x4: {  	_ = 	snop  }
0x5: {  	_ = 	snop  }
0x6: {  	_ = 	snop  }
0x7: {  	_ = 	snop  }
__scs_overlays_trampoline_lowered:
0x8: {  	[smem:$0x3F9C] =	sst s0  }
0x9: {  	[smem:$0x3F9D] =	sst s1  }
0xa: {  	[smem:$0x3F9E] =	sst s2  }
0xb: {  	[smem:$0x3F9F] =	sst s3  }
0xc: {  	[smem:$0x3FA0] =	sst s4  }
0xd: {  	[smem:$0x3FA1] =	sst s5  }
0xe: {  	[smem:$0x3FA2] =	sst s6  }
0xf: {  	[smem:$0x3FA3] =	sst s7  }
0x10: {  	[smem:$0x3FA4] =	sst s8  }
0x11: {  	[smem:$0x3FA5] =	sst s9;
	s0 =	simm.s32 @!p0 $0x0  }
0x12: {  	s1 =	sld [smem:$0x3F8B];
	s0 =	simm.s32 @p0 $0x1  }
0x13: {  	[smem:$0x3FA6] =	sst s0;
	s0 =	simm.s32 @!p1 $0x0  }
0x14: {  	s2 =	sld [smem:$0x3F8A];
	s0 =	simm.s32 @p1 $0x1  }
0x15: {  	[smem:$0x3FA7] =	sst s0;
	s0 =	simm.s32 @!p2 $0x0  }
0x16: {  	s3 =	sld [smem:$0x3FDB];
	s0 =	simm.s32 @p2 $0x1  }
0x17: {  	s4 =	simm.s32 $0x1BF5;
	[smem:$0x3FA9] =	sst s0  }
0x18: {  	s0 =	sld [smem:$0x3F8C];
	_ =	swait.ge [sflag:s4], $0x0  }
0x19: {  	s7 =	sld [smem:$0x3F8D]  }
0x1a: {  	s8 =	sadd.s32 $0xFFFFE003, lr  }
0x1b: {  	s9 =	sadd.s32 $0xFFFFFEF7, lr;
	s5 =	simm.s32 $0xFFFFFFFF;
	p2 =	slt.u32 s8, $0xFFFFF086  }
0x1c: {  	p1 =	slt.u32 s9, $0xF7A;
	s5 =	simm.s32 @!p2 $0x0  }
0x1d: {  	s5 =	simm.s32 @p1 $0x1;
	p0 =	seq.s32 s7, s2  }
0x1e: {  	s7 =	smul.u32 @!p0 $0xF7A, s2;
	p2 =	seq.s32 @!p0 s5, $0x0  }
0x1f: {  	s9 =	smul.u32 $0xF7A, s1;
	s8 =	simm.s32 @!p0 $0x1BF5;
	p2 =	por !p2, p0  }
0x20: {  	[sflag:s8] =	ssyncset.s32 @!p0 $0xFFFFF086;
	s6 =	sadd.s32 @!p0 s3, s7;
	s7 =	simm.s32 @!p0 $0x108  }
0x21: {  	s3 =	sadd.s32 s3, s9;
	s6 =	sadd.s32 @!p0 $0x88, s6;
	s7 =	simm.s32 @p2 $0x1082  }
0x22: {  	[simem:s7], [sflag:s8] =	dma.local @!p0 [hbm:s6], $0xF7A  }
0x23: {  	s9 =	sor.u32 $0xD0000000, s2;
	s6 =	simm.s32 $0x108;
	_ =	swait.ge @!p0 [sflag:s8], $0x0  }
0x24: {  	s3 =	sadd.s32 $0x88, s3;
	s6 =	simm.s32 @!p1 $0x1082;
	[sflag:s4] =	ssyncset.s32 $0xFFFFF086  }
0x25: {  	[simem:s6], [sflag:s4] =	dma.local [hbm:s3], $0xF7A  }
0x26: {  	[smem:$0x3F8D] =	sst s1;
	(tag) =	ssettag s2;
	_ =	strace s9  }
0x27: {  	s1 =	sld [smem:$0x3F9D]  }
0x28: {  	s2 =	sld [smem:$0x3F9E]  }
0x29: {  	s4 =	sld [smem:$0x3FA0]  }
0x2a: {  	p0 =	seq.s32 s5, $0x0;
	s5 =	sld [smem:$0x3FA1]  }
0x2b: {  	s6 =	sld [smem:$0x3FA2]  }
0x2c: {  	s7 =	sld [smem:$0x3FA3]  }
0x2d: {  	s3 =	simm.s32 $0x108;
	s8 =	sld [smem:$0x3FA4]  }
0x2e: {  	s3 =	simm.s32 @!p0 $0x1082;
	s9 =	sld [smem:$0x3FA5]  }
0x2f: {  	lr =	sadd.s32 s0, s3;
	s0 =	sld [smem:$0x3F9C]  }
0x30: {  	s3 =	sld [smem:$0x3F9F]  }
0x31: {  	[smem:$0x3FA8] =	sst s10  }
0x32: {  	s10 =	sld [smem:$0x3FA6];
	_ =	sdelay $0x3  }
0x33: {  	p0 =	seq.s32 s10, $0x1;
	s10 =	sld [smem:$0x3FA8];
	_ =	sdelay $0x3  }
0x34: {  	[smem:$0x3FA8] =	sst s10  }
0x35: {  	s10 =	sld [smem:$0x3FA7];
	_ =	sdelay $0x3  }
0x36: {  	p1 =	seq.s32 s10, $0x1;
	s10 =	sld [smem:$0x3FA8];
	_ =	sdelay $0x3  }
0x37: {  	[smem:$0x3FA8] =	sst s10  }
0x38: {  	s10 =	sld [smem:$0x3FA9]  }
0x39: {  	_ = 	snop;
	(pc) =	sbr.ind lr, $3  }
0x3a: {  	_ = 	snop  }
0x3b: {  	_ = 	snop  }
0x3c: {  	p2 =	seq.s32 s10, $0x1;
	s10 =	sld [smem:$0x3FA8]  }
0x3d: {  	_ =	shalt  }
0x3e: {  	_ =	shalt  }
0x3f: {  	_ =	shalt  }
0x40: {  	_ =	shalt  }
0x41: {  	_ =	shalt  }
0x42: {  	_ =	shalt  }
0x43: {  	_ =	shalt  }
0x44: {  	_ =	shalt  }
0x45: {  	_ =	shalt  }
0x46: {  	_ =	shalt  }
0x47: {  	_ =	shalt  }
0x48: {  	_ =	shalt  }
0x49: {  	_ =	shalt  }
0x4a: {  	_ =	shalt  }
0x4b: {  	_ =	shalt  }
0x4c: {  	_ =	shalt  }
0x4d: {  	_ =	shalt  }
0x4e: {  	_ =	shalt  }
0x4f: {  	_ =	shalt  }
0x50: {  	_ =	shalt  }
0x51: {  	_ =	shalt  }
0x52: {  	_ =	shalt  }
0x53: {  	_ =	shalt  }
0x54: {  	_ =	shalt  }
0x55: {  	_ =	shalt  }
0x56: {  	_ =	shalt  }
0x57: {  	_ =	shalt  }
0x58: {  	_ =	shalt  }
0x59: {  	_ =	shalt  }
0x5a: {  	_ =	shalt  }
0x5b: {  	_ =	shalt  }
0x5c: {  	_ =	shalt  }
0x5d: {  	_ =	shalt  }
0x5e: {  	_ =	shalt  }
0x5f: {  	_ =	shalt  }
0x60: {  	_ =	shalt  }
0x61: {  	_ =	shalt  }
0x62: {  	_ =	shalt  }
0x63: {  	_ =	shalt  }
0x64: {  	_ =	shalt  }
0x65: {  	_ =	shalt  }
0x66: {  	_ =	shalt  }
0x67: {  	_ =	shalt  }
0x68: {  	_ =	shalt  }
0x69: {  	_ =	shalt  }
0x6a: {  	_ =	shalt  }
0x6b: {  	_ =	shalt  }
0x6c: {  	_ =	shalt  }
0x6d: {  	_ =	shalt  }
0x6e: {  	_ =	shalt  }
0x6f: {  	_ =	shalt  }
0x70: {  	_ =	shalt  }
0x71: {  	_ =	shalt  }
0x72: {  	_ =	shalt  }
0x73: {  	_ =	shalt  }
0x74: {  	_ =	shalt  }
0x75: {  	_ =	shalt  }
0x76: {  	_ =	shalt  }
0x77: {  	_ =	shalt  }
0x78: {  	_ =	shalt  }
0x79: {  	_ =	shalt  }
0x7a: {  	_ =	shalt  }
0x7b: {  	_ =	shalt  }
0x7c: {  	_ =	shalt  }
0x7d: {  	_ =	shalt  }
0x7e: {  	_ =	shalt  }
0x7f: {  	_ =	shalt  }
0x80: {  	_ =	shalt  }
0x81: {  	_ =	shalt  }
0x82: {  	_ =	shalt  }
0x83: {  	_ =	shalt  }
0x84: {  	_ =	shalt  }
0x85: {  	_ =	shalt  }
0x86: {  	_ =	shalt  }
0x87: {  	_ =	shalt  }
.Lfunc_end0:
.L_simem_size_0:
called_computation.1_lowered:
.L_overlay_start_0:
0x88: {  	s2 =	sld [smem:$0x3FD9]  }
0x89: {  	s3 =	sld [smem:$0x3FFE];
	_ =	sdelay $0x1  }
0x8a: {  	s1 =	srdreg.scid  }
0x8b: {  	s0 =	sand.u32 $0x1, s1  }
0x8c: {  	s17 =	sshll.u32 s0, $0xA;
	s2 =	sadd.s32 s3, s2  }
0x8d: {  	s2 =	sadd.s32 s2, s17  }
0x8e: {  	[smem:$0x3FB4] =	sst s2  }
0x8f: {  	_ = 	snop  }
0x90: {  	s18 =	sld [smem:$0x3FC5];
	(tm) =	ssettm $0x1  }
0x91: {  	s19 =	sld [smem:$0x3FFB];
	_ =	sdelay $0x3  }
0x92: {  	_ =	strace s19  }
0x93: {  	s2 =	sld [smem:$0x3FFC];
	_ =	sdelay $0x3  }
0x94: {  	_ =	strace s2  }
0x95: {  	s2 =	sld [smem:$0x3FFD];
	_ =	sdelay $0x3  }
0x96: {  	_ =	strace s2  }
0x97: {  	_ =	strace $0x8FFFFFFF  }
0x98: {  	s20 =	sld [smem:$0x3FDB];
	_ =	sdelay $0x1  }
0x99: {  	s4 =	simm.s32 $_scs_section_size  }
0x9a: {  	s5 =	simm.s32 $_size__tile_overlayer_lowered;
	s6 =	simm.s32 $_tile_overlayer_lowered  }
0x9b: {  	s7 =	simm.s32 $0x1BFF;
	s21 =	sshll.u32 s6, $0x1;
	s4 =	sadd.s32 s4, s20  }
0x9c: {  	s22 =	simm.s32 $0x0;
	s5 =	sshll.u32 s5, $0x1;
	s6 =	sadd.s32 s21, s4  }
0x9d: {  	[timem:s22], [sflag:s7] =	dma.local [hbm:s6], s5  }
0x9e: {  	_ =	swait.ge [sflag:s7], s5  }
0x9f: {  	s5 =	ssub.s32 $0x0, s5;
	[sflag:s7] =	ssyncset.done $0x0  }
0xa0: {  	[sflag:s7] =	ssyncadd.s32 s5;
	_ =	sdelay $0x1  }
0xa1: {  	s23 =	simm.s32 $0x1B8B  }
0xa2: {  	_ =	swait.ge [sflag:s23], $0x1  }
0xa3: {  	[sflag:s23] =	ssyncset.done $0x0  }
0xa4: {  	[sflag:s23] =	ssyncadd.s32 $0xFFFFFFFF  }
0xa5: {  	s5 =	sld [smem:$0x0]  }
0xa6: {  	s6 =	sand.u32 $0xFFFFFFFE, s1  }
0xa7: {  	p0 =	sne.s32 s1, s6  }
0xa8: {  	s6 =	sshll.u32 @p0 s6, $0xE  }
0xa9: {  	s6 =	sadd.s32 @p0 $0x11B8D, s6;
	s7 =	sshll.u32 @p0 s5, $0x11  }
0xaa: {  	s6 =	sor.u32 @p0 s7, s6  }
0xab: {  	[sflag:s6] =	ssyncadd.remote.s32 @p0 $0x1;
	_ =	sdelay $0x1  }
0xac: {  	s6 =	simm.s32 @p0 $0x1B8D  }
0xad: {  	_ =	swait.eq @p0 [sflag:s6], $0x1  }
0xae: {  	[sflag:s6] =	ssyncadd.s32 @p0 $0xFFFFFFFF  }
0xaf: {  	s7 =	sshll.u32 @!p0 s1, $0xE  }
0xb0: {  	s7 =	sor.u32 @!p0 $0x4000, s7;
	s6 =	simm.s32 @!p0 $0x1B8D  }
0xb1: {  	s5 =	sshll.u32 @!p0 s5, $0x11;
	s7 =	sadd.s32 @!p0 $0x11B8D, s7;
	_ =	swait.eq @!p0 [sflag:s6], $0x1  }
0xb2: {  	s5 =	sor.u32 @!p0 s5, s7;
	[sflag:s6] =	ssyncadd.s32 @!p0 $0xFFFFFFFF  }
0xb3: {  	s25 =	simm.s32 $0x1B8E;
	s24 =	sld [smem:$0x3FFE];
	[sflag:s5] =	ssyncadd.remote.s32 @!p0 $0x1  }
0xb4: {  	s26 =	simm.s32 $execute0_lowered;
	[smem:$0x3FD2] =	sst s25  }
0xb5: {  	s6 =	sshll.u32 s26, $0x1;
	_ =	strace $0x80000049;
	[dreg:$0x1] =	wrdreg $0xFFFFFFFF  }
0xb6: {  	s28 =	simm.s32 $_size_execute0_lowered;
	s4 =	sadd.s32 s4, s6;
	[dreg:$0x0] =	wrdreg $0x0  }
0xb7: {  	s6 =	sshll.u32 s28, $0x1;
	[dreg:$0x2] =	wrdreg s4  }
0xb8: {  	[dreg:$0x3] =	wrdreg s6  }
0xb9: {  	[dreg:$0x4] =	wrdreg $0xC0  }
0xba: {  	_ =	task [dreg:s22], $0x5FFFF  }
0xbb: {  	[dreg:$0x1] =	wrdreg $0xFFFFFFFF  }
0xbc: {  	[dreg:$0x0] =	wrdreg $0x60  }
0xbd: {  	[dreg:$0x2] =	wrdreg s18  }
0xbe: {  	[dreg:$0x3] =	wrdreg s24  }
0xbf: {  	[dreg:$0x4] =	wrdreg $0xA  }
0xc0: {  	_ =	task.clear_ibuf [dreg:s22], $0x5FFFF;
	_ =	strace $0x90000049  }
0xc1: {  	s29 =	simm.s32 $0xA;
	_ =	strace $0x8000004B  }
0xc2: {  	_ =	swait.ge [sflag:s29], $0x1  }
0xc3: {  	[sflag:s29] =	ssyncadd.s32 $0xFFFFFFFF  }
0xc4: {  	_ =	strace $0x9000004B  }
0xc5: {  	_ =	sfence  }
0xc6: {  	s30 =	sld [smem:$0x0];
	_ =	sdelay $0x2  }
0xc7: {  	s31 =	sshll.u32 s1, $0xD;
	s1 =	sshrl.u32 s1, $0x2  }
0xc8: {  	s4 =	sand.u32 $0x4000, s31;
	s1 =	sadd.s32 s1, s30  }
0xc9: {  	s0 =	sor.u32 s4, s0;
	s1 =	sshll.u32 s1, $0x11  }
0xca: {  	s0 =	sor.u32 s1, s0  }
0xcb: {  	s0 =	sadd.s32 $0x8F2B, s0  }
0xcc: {  	[sflag:s0] =	ssyncadd.remote.s32 $0x1  }
0xcd: {  	_ =	sfence.sel $0xFFFF  }
0xce: {  	[dreg:$0x0] =	wrdreg $0xFFFFFFFF;
	(pc) =	sbr.abs _section_cstart, $3  }
0xcf: {  	[dreg:$0x1] =	wrdreg $0xFFFFFFFF  }
0xd0: {  	_ =	task.clear_ibuf [dreg:s22], $0x2FFFF;
	_ =	strace $0x9FFFFFFF  }
0xd1: {  	(tm) =	ssettm $0x7FFFFFFF  }
tec
execute0_lowered:
.L_overlay_start_1:
0x0: {  	(tag) =	ssettag $0x1  }
0x1: {  	s1 =	srdreg.scid;
	s0 =	stileid.u32  }
0x2: {  	s2 =	rddreg [dreg:$0x0];
	s6 =	sand.u32 $0x1, s1;
	s30 =	sshll.u32 s0, $0x1  }
0x3: {  	s9 =	rddreg [dreg:$0x1];
	s7 =	sor.u32 s6, s30  }
0x4: {  	s3 =	simm.s32 $0x0;
	s1 =	rddreg [dreg:$0x2];
	s4 =	smul.u32 $0x28, s7  }
0x5: {  	s8 =	simm.s32 $0x1;
	[smem:$0x7FF] =	sst s3  }
0x6: {  	_ =	strace $0x8000004A;
	s11 =	ssub.s32 $0x2, s6;
	s4 =	sadd.s32 s4, s9  }
0x7: {  	s6 =	simm.s32 $0x140;
	s5 =	sadd.s32 $0x55A00, s4;
	s4 =	simm.s32 $0x2  }
0x8: {  	[tilespmem:s3], [sflag:$0x2] =	stream.linear.gather [hbm4b:s5+s3], $0x140, $0x38;
	[tilespmem:$0xA180] =	vst v63  }
0x9: {  	s10 =	smul.u32 $0x1400, s7;
	s12 =	sshrl.u32 s11, $0x1;
	_ =	swait.ge [sflag:s4], $0x140  }
0xa: {  	s7 =	simm.s32 $0x180;
	s31 =	ssub.s32 s11, s12;
	[sflag:s4] =	ssyncset.done $0x0  }
0xb: {  	s9 =	sadd.s32 s10, s9;
	s10 =	smax.u32 s31, $0x1;
	[sflag:s4] =	ssyncadd.s32 $0xFFFFFEC0  }
0xc: {  	[tilespmem:s7], [sflag:$0x1] =	stream.indirect.gather [hbm4b:s2+s6], $0x80, s3, s6, $0xb8;
	[tilespmem:$0xA180] =	vst v63  }
0xd: {  	p0 =	sne.s32 s10, $0x1;
	_ =	swait.ge [sflag:s8], $0xA000  }
.Ltmp0:
0xe: {  	[sflag:s8] =	ssyncset.done $0x0;
	(pc) =	sbr.rel @!p0 .LBB2_2-.Ltmp0, $4  }
0xf: {  	s9 =	sadd.s32 $0x56000, s9;
	[sflag:s8] =	ssyncadd.s32 $0xFFFF6000  }
0x10: {  	[hbm4b:s9+s3] =	stream.linear.scatter [tilespmem:s7], [sflag:$0x2], $0xA000, $0x38;
	[tilespmem:$0xA180] =	vst v63  }
0x11: {  	_ =	swait.ge [sflag:s4], $0xA000  }
0x12: {  	s10 =	sadd.s32 $0xFFFFFFFF, s10;
	[sflag:s4] =	ssyncset.done $0x0  }
.LBB2_1:
0x13: {  	p0 =	sne.s32 s10, $0x1;
	s10 =	sadd.s32 $0xFFFFFFFF, s10;
	[sflag:s4] =	ssyncadd.s32 $0xFFFF6000  }
0x14: {  	[tilespmem:s3], [sflag:$0x2] =	stream.linear.gather [hbm4b:s5+s3], $0x140, $0x38;
	[tilespmem:$0xA180] =	vst v63  }
0x15: {  	_ =	swait.ge [sflag:s4], $0x140  }
0x16: {  	[sflag:s4] =	ssyncset.done $0x0  }
0x17: {  	[sflag:s4] =	ssyncadd.s32 $0xFFFFFEC0  }
0x18: {  	[tilespmem:s7], [sflag:$0x1] =	stream.indirect.gather [hbm4b:s2+s6], $0x80, s3, s6, $0xb8;
	[tilespmem:$0xA180] =	vst v63  }
0x19: {  	_ =	swait.ge [sflag:s8], $0xA000  }
.Ltmp1:
0x1a: {  	[sflag:s8] =	ssyncset.done $0x0;
	(pc) =	sbr.rel @p0 .LBB2_1-.Ltmp1, $4  }
0x1b: {  	[sflag:s8] =	ssyncadd.s32 $0xFFFF6000  }
0x1c: {  	[hbm4b:s9+s3] =	stream.linear.scatter [tilespmem:s7], [sflag:$0x2], $0xA000, $0x38;
	[tilespmem:$0xA180] =	vst v63  }
0x1d: {  	_ =	swait.ge [sflag:s4], $0xA000  }
0x1e: {  	[sflag:s4] =	ssyncset.done $0x0  }
.LBB2_2:
0x1f: {  	[sflag:s4] =	ssyncadd.s32 $0xFFFF6000  }
0x20: {  	_ =	sfence.sel $0x180000  }
0x21: {  	[bflag:$0x0] =	sbarrier.arrive $0xFFFF  }
0x22: {  	p0 =	sne.s32 s0, $0x0;
	_ =	strace $0x9000004A  }
0x23: {  	s0 =	sadd.s32 @!p0 $0x100000, s1;
	[bflag:$0x2] =	sbarrier.arrive $0xFFFF  }
0x24: {  	[sflag:s0] =	ssyncadd.tile.s32 @!p0 $0x1;
	_ =	shalt  }
.Lfunc_end2:
_tile_overlayer_lowered:
.L_overlay_start_2:
0x25: {  	(tag) =	ssettag $0x2  }
0x26: {  	s0 =	rddreg [dreg:$0x0];
	s2 =	stileid.u32  }
0x27: {  	s1 =	rddreg [dreg:$0x1];
	p0 =	sne.s32 s2, $0x0  }
0x28: {  	s3 =	rddreg [dreg:$0x2];
	[bflag:$0x3] =	sbarrier.arrive $0xFFFF;
	s2 =	simm.s32 @!p0 $0x1C02  }
0x29: {  	[timem:s3], [sflag:s2] =	dma.local @!p0 [hbm:s0], s1  }
0x2a: {  	s0 =	simm.s32 @!p0 $0x2  }
0x2b: {  	_ =	swait.ge @!p0 [sflag:s0], s1  }
0x2c: {  	s1 =	ssub.s32 @!p0 $0x0, s1;
	[sflag:s0] =	ssyncset.done @!p0 $0x0  }
0x2d: {  	[sflag:s0] =	ssyncadd.s32 @!p0 s1  }
0x2e: {  	[bflag:$0x3] =	sbarrier.arrive $0xFFFF  }
0x2f: {  	_ =	shalt  }

</sc_bundles>
